<compile_context>
chip_gen: v7x
topology: tpu7x:2x2x1
jax: 0.10.2.dev20260603
libtpu: 0.0.44.dev20260713+nightly
codegen_flags: <defaults>
</compile_context>

<pallas_src>
import jax
import jax.numpy as jnp
from jax import lax
from jax.experimental import pallas as pl
from jax.experimental.pallas import tpu as pltpu
from jax.experimental.pallas import tpu_sc as plsc

D_MODEL = 1024
DELTA = 512
VISIBLE_RANGE = 9.0
NIDX = 9
CSTRIDE = 16
NCOMB = NIDX * CSTRIDE

L = 16
NW = 32
B = 4 * 2048
BPW = B // NW
CHUNK = 32
NCHUNK = BPW // CHUNK
NBUF = 3
NREP = 4


def _pos_kernel(tx_hbm, ty_hbm, xenc_hbm, yenc_hbm, out_hbm, comb_hbm,
                tx_v, ty_v, idx_v, b0, b1, b2,
                s0, s1, s2):
    sid = lax.axis_index("s")
    cid = lax.axis_index("c")
    wid = sid * 2 + cid
    base = wid * BPW
    bufs = (b0, b1, b2)
    sems = (s0, s1, s2)

    pltpu.sync_copy(tx_hbm.at[pl.ds(base, BPW)], tx_v)
    pltpu.sync_copy(ty_hbm.at[pl.ds(base, BPW)], ty_v)

    def ibody(g, carry):
        sl = pl.ds(g * L, L)
        xi = (tx_v[sl] * VISIBLE_RANGE).astype(jnp.int32)
        yi = (ty_v[sl] * VISIBLE_RANGE).astype(jnp.int32)
        idx_v[sl] = xi * CSTRIDE + yi
        return carry

    lax.fori_loop(0, BPW // L, ibody, 0)

    @pl.when(sid < NIDX)
    def _():
        pltpu.sync_copy(xenc_hbm.at[pl.ds(DELTA, CSTRIDE)],
                        b0.at[pl.ds(0, CSTRIDE)])
        pltpu.sync_copy(yenc_hbm.at[pl.ds(DELTA, CSTRIDE)],
                        b1.at[pl.ds(0, CSTRIDE)])

        def jbody(j, carry):
            def cbody(k, carry2):
                cs = pl.ds(k * L, L)
                b2[j, cs] = b0[sid, cs] + b1[j, cs]
                return carry2

            return lax.fori_loop(0, D_MODEL // L, cbody, carry)

        lax.fori_loop(0, CSTRIDE, jbody, 0)
        for rep in range(NREP):
            pltpu.sync_copy(b2.at[pl.ds(0, CSTRIDE)],
                            comb_hbm.at[cid, rep,
                                        pl.ds(sid * CSTRIDE, CSTRIDE)])

    plsc.subcore_barrier()
    rep = sid % NREP

    H = CHUNK // 2

    def gather(c):
        ca = pltpu.async_copy(
            comb_hbm.at[cid, rep].at[idx_v.at[pl.ds(c * CHUNK, H)]],
            bufs[c % NBUF].at[pl.ds(0, H)], sems[c % NBUF])
        cb = pltpu.async_copy(
            comb_hbm.at[cid, rep].at[idx_v.at[pl.ds(c * CHUNK + H, H)]],
            bufs[c % NBUF].at[pl.ds(H, H)], sems[c % NBUF])
        return (ca, cb)

    def write(c):
        return pltpu.async_copy(
            bufs[c % NBUF], out_hbm.at[pl.ds(base + c * CHUNK, CHUNK)],
            sems[c % NBUF])

    gwaits = [None] * NCHUNK
    wwaits = [None] * NCHUNK
    for c in range(NBUF):
        gwaits[c] = gather(c)
    for c in range(NCHUNK):
        for w in gwaits[c]:
            w.wait()
        wwaits[c] = write(c)
        j = c - 2
        if j >= 0 and j + NBUF < NCHUNK:
            wwaits[j].wait()
            wwaits[j] = None
            gwaits[j + NBUF] = gather(j + NBUF)
    for c in range(NCHUNK):
        if wwaits[c] is not None:
            wwaits[c].wait()
            wwaits[c] = None


@jax.jit
def _run(tx, ty, xenc, yenc):
    mesh = plsc.VectorSubcoreMesh(core_axis_name="c", subcore_axis_name="s")
    out, _ = pl.kernel(
        out_type=(
            jax.ShapeDtypeStruct((B, D_MODEL), jnp.float32),
            jax.ShapeDtypeStruct((2, NREP, NCOMB, D_MODEL), jnp.float32),
        ),
        mesh=mesh,
        scratch_types=[
            pltpu.VMEM((BPW,), jnp.float32),
            pltpu.VMEM((BPW,), jnp.float32),
            pltpu.VMEM((BPW,), jnp.int32),
        ] + [pltpu.VMEM((CHUNK, D_MODEL), jnp.float32)] * NBUF
        + [pltpu.SemaphoreType.DMA] * NBUF,
    )(_pos_kernel)(tx, ty, xenc, yenc)
    return out


def kernel(tokens, x_encoding, y_encoding):
    tx = tokens[:, :, 0].reshape(-1)
    ty = tokens[:, :, 1].reshape(-1)
    out = _run(tx, ty, x_encoding, y_encoding)
    return out.reshape(tokens.shape[0], tokens.shape[1], D_MODEL)

# --- scband reference (transcript-rebuilt; emitter-appended) ---
"""Pipeline reference for scband-two-dpositional-encoding-74775380624072 (READ-ONLY COPY).

The authoritative reference and input builder live on the scoring server;
editing this copy changes nothing except your own understanding.
"""

import jax, jax.numpy as jnp
import numpy as np

D_MODEL = 1024
MAX_LEN = 1024
DELTA = MAX_LEN // 2

def _make_encoding():
    pos = jnp.arange(MAX_LEN, dtype=jnp.float32)[:, None]
    _2i = jnp.arange(0, D_MODEL, 2, dtype=jnp.float32)
    angle = pos / jnp.power(10000.0, _2i / D_MODEL)
    enc = jnp.zeros((MAX_LEN, D_MODEL), dtype=jnp.float32)
    enc = enc.at[:, 0::2].set(jnp.sin(angle))
    enc = enc.at[:, 1::2].set(jnp.cos(angle))
    return enc

def setup_inputs(seed: int = 0):
    key = jax.random.key(seed)
    tokens = jax.random.uniform(key, (4, 2048, 2), dtype=jnp.float32)
    enc = _make_encoding()
    return {"tokens": tokens, "x_encoding": enc, "y_encoding": enc}

def reference(tokens, x_encoding, y_encoding):
    visible_range = 9
    # torch int() truncates toward zero; inputs are in [0,1) so trunc == astype(int32)
    x = (tokens[:, :, 0] * visible_range).astype(jnp.int32)
    y = (tokens[:, :, 1] * visible_range).astype(jnp.int32)
    pos_emb = jnp.take(x_encoding, DELTA + x, axis=0) + jnp.take(y_encoding, DELTA + y, axis=0)
    return pos_emb

if __name__ == "__main__":
    import jax
    _d = setup_inputs()
    print(jax.jit(kernel)(*tuple(_d.values())))

</pallas_src>

<mosaic_0001>
#map = affine_map<(d0, d1) -> (0)>
#map1 = affine_map<(d0, d1) -> (0, 0)>
#map2 = affine_map<(d0, d1) -> (0, 0, 0, 0)>
module attributes {stable_mosaic.version = 14 : i64} {
  func.func @_pos_kernel(%arg0: i32, %arg1: i32, %arg2: memref<8192xf32, #tpu.memory_space<hbm>>, %arg3: memref<8192xf32, #tpu.memory_space<hbm>>, %arg4: memref<1024x1024xf32, #tpu.memory_space<hbm>>, %arg5: memref<1024x1024xf32, #tpu.memory_space<hbm>>, %arg6: memref<8192x1024xf32, #tpu.memory_space<hbm>>, %arg7: memref<2x4x144x1024xf32, #tpu.memory_space<hbm>>, %arg8: memref<256xf32, #tpu.memory_space<vmem>>, %arg9: memref<256xf32, #tpu.memory_space<vmem>>, %arg10: memref<256xi32, #tpu.memory_space<vmem>>, %arg11: memref<32x1024xf32, #tpu.memory_space<vmem>>, %arg12: memref<32x1024xf32, #tpu.memory_space<vmem>>, %arg13: memref<32x1024xf32, #tpu.memory_space<vmem>>, %arg14: memref<!tpu.dma_semaphore, #tpu.memory_space<semaphore_mem>>, %arg15: memref<!tpu.dma_semaphore, #tpu.memory_space<semaphore_mem>>, %arg16: memref<!tpu.dma_semaphore, #tpu.memory_space<semaphore_mem>>) attributes {dimension_semantics = [#tpu.dimension_semantics<core_parallel>, #tpu.dimension_semantics<subcore_parallel>], iteration_bounds = array<i64: 2, 16>, scalar_prefetch = 0 : i64, scratch_operands = 9 : i64, tpu.core_type = #tpu.core_type<sc_vector_subcore>, window_params = [{transform_indices = #map}, {transform_indices = #map}, {transform_indices = #map1}, {transform_indices = #map1}, {transform_indices = #map1}, {transform_indices = #map2}]} {
    %mul3A = arith.constant 2 : i32
    %mul3A_0 = arith.muli %arg1, %mul3A : i32
    %add3A = arith.addi %mul3A_0, %arg0 : i32
    %mul3A_1 = arith.constant 256 : i32
    %mul3A_2 = arith.muli %add3A, %mul3A_1 : i32
    "tpu.region"() ({
      %run_scoped3A = tpu.sem_alloc : memref<!tpu.dma_semaphore, #tpu.memory_space<semaphore_mem>>
      %dma_start3A_482 = tpu.memref_slice %arg2[%mul3A_2] : memref<8192xf32, #tpu.memory_space<hbm>> -> memref<256xf32, #tpu.memory_space<hbm>>
      %dma_start3A_483 = tpu.memref_slice %arg2[%mul3A_2] : memref<8192xf32, #tpu.memory_space<hbm>> -> memref<256xf32, #tpu.memory_space<hbm>>
      tpu.enqueue_dma source(%dma_start3A_483 : memref<256xf32, #tpu.memory_space<hbm>>) target(%arg8 : memref<256xf32, #tpu.memory_space<vmem>>) target_semaphore(%run_scoped3A : memref<!tpu.dma_semaphore, #tpu.memory_space<semaphore_mem>>)
      %dma_wait3A_484 = tpu.memref_slice %arg2[%mul3A_2] : memref<8192xf32, #tpu.memory_space<hbm>> -> memref<256xf32, #tpu.memory_space<hbm>>
      %dma_wait3A_485 = tpu.memref_slice %arg2[%mul3A_2] : memref<8192xf32, #tpu.memory_space<hbm>> -> memref<256xf32, #tpu.memory_space<hbm>>
      tpu.wait_dma2 semaphore(%run_scoped3A : memref<!tpu.dma_semaphore, #tpu.memory_space<semaphore_mem>>) src(%dma_wait3A_485 : memref<256xf32, #tpu.memory_space<hbm>>) dst(%arg8 : memref<256xf32, #tpu.memory_space<vmem>>)
      tpu.yield
    }) : () -> ()
    "tpu.region"() ({
      %run_scoped3A = tpu.sem_alloc : memref<!tpu.dma_semaphore, #tpu.memory_space<semaphore_mem>>
      %dma_start3A_482 = tpu.memref_slice %arg3[%mul3A_2] : memref<8192xf32, #tpu.memory_space<hbm>> -> memref<256xf32, #tpu.memory_space<hbm>>
      %dma_start3A_483 = tpu.memref_slice %arg3[%mul3A_2] : memref<8192xf32, #tpu.memory_space<hbm>> -> memref<256xf32, #tpu.memory_space<hbm>>
      tpu.enqueue_dma source(%dma_start3A_483 : memref<256xf32, #tpu.memory_space<hbm>>) target(%arg9 : memref<256xf32, #tpu.memory_space<vmem>>) target_semaphore(%run_scoped3A : memref<!tpu.dma_semaphore, #tpu.memory_space<semaphore_mem>>)
      %dma_wait3A_484 = tpu.memref_slice %arg3[%mul3A_2] : memref<8192xf32, #tpu.memory_space<hbm>> -> memref<256xf32, #tpu.memory_space<hbm>>
      %dma_wait3A_485 = tpu.memref_slice %arg3[%mul3A_2] : memref<8192xf32, #tpu.memory_space<hbm>> -> memref<256xf32, #tpu.memory_space<hbm>>
      tpu.wait_dma2 semaphore(%run_scoped3A : memref<!tpu.dma_semaphore, #tpu.memory_space<semaphore_mem>>) src(%dma_wait3A_485 : memref<256xf32, #tpu.memory_space<hbm>>) dst(%arg9 : memref<256xf32, #tpu.memory_space<vmem>>)
      tpu.yield
    }) : () -> ()
    %scan3A = arith.constant 0 : i32
    %scan3A_3 = arith.constant 0 : i32
    %scan3A_4 = arith.constant 16 : i32
    %scan3A_5 = arith.addi %scan3A_3, %scan3A_4 : i32
    %scan3A_6 = arith.constant 1 : i32
    scf.for %scan3A_482 = %scan3A_3 to %scan3A_5 step %scan3A_6  : i32 {
      %mul3A_483 = arith.constant 16 : i32
      %mul3A_484 = arith.muli %scan3A_482, %mul3A_483 : i32
      %get3A = arith.index_cast %mul3A_484 : i32 to index
      %get3A_485 = tpu.vector_load %arg8[%get3A] {strides = array<i32>} : memref<256xf32, #tpu.memory_space<vmem>>, vector<16xf32>,
      %get3A_486 = vector.shape_cast %get3A_485 : vector<16xf32> to vector<16xf32>
      %mul3A_487 = arith.constant 9.000000e+00 : f32
      %mul3A_488 = vector.broadcast %mul3A_487 : f32 to vector<16xf32>
      %mul3A_489 = arith.mulf %get3A_486, %mul3A_488 : vector<16xf32>
      %convert_element_type3A_490 = arith.fptosi %mul3A_489 : vector<16xf32> to vector<16xi32>
      %get3A_491 = arith.index_cast %mul3A_484 : i32 to index
      %get3A_492 = tpu.vector_load %arg9[%get3A_491] {strides = array<i32>} : memref<256xf32, #tpu.memory_space<vmem>>, vector<16xf32>,
      %get3A_493 = vector.shape_cast %get3A_492 : vector<16xf32> to vector<16xf32>
      %mul3A_494 = arith.constant 9.000000e+00 : f32
      %mul3A_495 = vector.broadcast %mul3A_494 : f32 to vector<16xf32>
      %mul3A_496 = arith.mulf %get3A_493, %mul3A_495 : vector<16xf32>
      %convert_element_type3A_497 = arith.fptosi %mul3A_496 : vector<16xf32> to vector<16xi32>
      %mul3A_498 = arith.constant 16 : i32
      %mul3A_499 = vector.broadcast %mul3A_498 : i32 to vector<16xi32>
      %mul3A_500 = arith.muli %convert_element_type3A_490, %mul3A_499 : vector<16xi32>
      %add3A_501 = arith.addi %mul3A_500, %convert_element_type3A_497 : vector<16xi32>
      %swap3A = arith.index_cast %mul3A_484 : i32 to index
      %swap3A_502 = tpu.vector_load %arg10[%swap3A] {strides = array<i32>} : memref<256xi32, #tpu.memory_space<vmem>>, vector<16xi32>,
      %swap3A_503 = vector.shape_cast %swap3A_502 : vector<16xi32> to vector<16xi32>
      %swap3A_504 = vector.shape_cast %add3A_501 : vector<16xi32> to vector<16xi32>
      tpu.vector_store %arg10[%swap3A], %swap3A_504 {strides = array<i32>} : memref<256xi32, #tpu.memory_space<vmem>>, vector<16xi32>,
    }
    %scan3A_7 = arith.constant 16 : i32
    %lt3A = arith.constant 9 : i32
    %lt3A_8 = arith.cmpi slt, %arg1, %lt3A : i32
    %convert_element_type3A = arith.extui %lt3A_8 : i1 to i32
    %cond3A = arith.constant 0 : i32
    %cond3A_9 = arith.cmpi ne, %convert_element_type3A, %cond3A : i32
    scf.if %cond3A_9 {
      "tpu.region"() ({
        %run_scoped3A_499 = tpu.sem_alloc : memref<!tpu.dma_semaphore, #tpu.memory_space<semaphore_mem>>
        %dma_start3A_500 = arith.constant 0 : i32
        %dma_start3A_501 = arith.constant 0 : i32
        %dma_start3A_502 = tpu.memref_slice %arg11[%dma_start3A_500, %dma_start3A_501] : memref<32x1024xf32, #tpu.memory_space<vmem>> -> memref<16x1024xf32, #tpu.memory_space<vmem>>
        %dma_start3A_503 = arith.constant 512 : i32
        %dma_start3A_504 = arith.constant 0 : i32
        %dma_start3A_505 = tpu.memref_slice %arg4[%dma_start3A_503, %dma_start3A_504] : memref<1024x1024xf32, #tpu.memory_space<hbm>> -> memref<16x1024xf32, #tpu.memory_space<hbm>>
        %dma_start3A_506 = arith.constant 0 : i32
        %dma_start3A_507 = arith.constant 0 : i32
        %dma_start3A_508 = tpu.memref_slice %arg11[%dma_start3A_506, %dma_start3A_507] : memref<32x1024xf32, #tpu.memory_space<vmem>> -> memref<16x1024xf32, #tpu.memory_space<vmem>>
        %dma_start3A_509 = arith.constant 512 : i32
        %dma_start3A_510 = arith.constant 0 : i32
        %dma_start3A_511 = tpu.memref_slice %arg4[%dma_start3A_509, %dma_start3A_510] : memref<1024x1024xf32, #tpu.memory_space<hbm>> -> memref<16x1024xf32, #tpu.memory_space<hbm>>
        tpu.enqueue_dma source(%dma_start3A_511 : memref<16x1024xf32, #tpu.memory_space<hbm>>) target(%dma_start3A_508 : memref<16x1024xf32, #tpu.memory_space<vmem>>) target_semaphore(%run_scoped3A_499 : memref<!tpu.dma_semaphore, #tpu.memory_space<semaphore_mem>>)
        %dma_wait3A_512 = arith.constant 0 : i32
        %dma_wait3A_513 = arith.constant 0 : i32
        %dma_wait3A_514 = tpu.memref_slice %arg11[%dma_wait3A_512, %dma_wait3A_513] : memref<32x1024xf32, #tpu.memory_space<vmem>> -> memref<16x1024xf32, #tpu.memory_space<vmem>>
        %dma_wait3A_515 = arith.constant 512 : i32
        %dma_wait3A_516 = arith.constant 0 : i32
        %dma_wait3A_517 = tpu.memref_slice %arg4[%dma_wait3A_515, %dma_wait3A_516] : memref<1024x1024xf32, #tpu.memory_space<hbm>> -> memref<16x1024xf32, #tpu.memory_space<hbm>>
        %dma_wait3A_518 = arith.constant 0 : i32
        %dma_wait3A_519 = arith.constant 0 : i32
        %dma_wait3A_520 = tpu.memref_slice %arg11[%dma_wait3A_518, %dma_wait3A_519] : memref<32x1024xf32, #tpu.memory_space<vmem>> -> memref<16x1024xf32, #tpu.memory_space<vmem>>
        %dma_wait3A_521 = arith.constant 512 : i32
        %dma_wait3A_522 = arith.constant 0 : i32
        %dma_wait3A_523 = tpu.memref_slice %arg4[%dma_wait3A_521, %dma_wait3A_522] : memref<1024x1024xf32, #tpu.memory_space<hbm>> -> memref<16x1024xf32, #tpu.memory_space<hbm>>
        tpu.wait_dma2 semaphore(%run_scoped3A_499 : memref<!tpu.dma_semaphore, #tpu.memory_space<semaphore_mem>>) src(%dma_wait3A_523 : memref<16x1024xf32, #tpu.memory_space<hbm>>) dst(%dma_wait3A_520 : memref<16x1024xf32, #tpu.memory_space<vmem>>)
        tpu.yield
      }) : () -> ()
      "tpu.region"() ({
        %run_scoped3A_499 = tpu.sem_alloc : memref<!tpu.dma_semaphore, #tpu.memory_space<semaphore_mem>>
        %dma_start3A_500 = arith.constant 0 : i32
        %dma_start3A_501 = arith.constant 0 : i32
        %dma_start3A_502 = tpu.memref_slice %arg12[%dma_start3A_500, %dma_start3A_501] : memref<32x1024xf32, #tpu.memory_space<vmem>> -> memref<16x1024xf32, #tpu.memory_space<vmem>>
        %dma_start3A_503 = arith.constant 512 : i32
        %dma_start3A_504 = arith.constant 0 : i32
        %dma_start3A_505 = tpu.memref_slice %arg5[%dma_start3A_503, %dma_start3A_504] : memref<1024x1024xf32, #tpu.memory_space<hbm>> -> memref<16x1024xf32, #tpu.memory_space<hbm>>
        %dma_start3A_506 = arith.constant 0 : i32
        %dma_start3A_507 = arith.constant 0 : i32
        %dma_start3A_508 = tpu.memref_slice %arg12[%dma_start3A_506, %dma_start3A_507] : memref<32x1024xf32, #tpu.memory_space<vmem>> -> memref<16x1024xf32, #tpu.memory_space<vmem>>
        %dma_start3A_509 = arith.constant 512 : i32
        %dma_start3A_510 = arith.constant 0 : i32
        %dma_start3A_511 = tpu.memref_slice %arg5[%dma_start3A_509, %dma_start3A_510] : memref<1024x1024xf32, #tpu.memory_space<hbm>> -> memref<16x1024xf32, #tpu.memory_space<hbm>>
        tpu.enqueue_dma source(%dma_start3A_511 : memref<16x1024xf32, #tpu.memory_space<hbm>>) target(%dma_start3A_508 : memref<16x1024xf32, #tpu.memory_space<vmem>>) target_semaphore(%run_scoped3A_499 : memref<!tpu.dma_semaphore, #tpu.memory_space<semaphore_mem>>)
        %dma_wait3A_512 = arith.constant 0 : i32
        %dma_wait3A_513 = arith.constant 0 : i32
        %dma_wait3A_514 = tpu.memref_slice %arg12[%dma_wait3A_512, %dma_wait3A_513] : memref<32x1024xf32, #tpu.memory_space<vmem>> -> memref<16x1024xf32, #tpu.memory_space<vmem>>
        %dma_wait3A_515 = arith.constant 512 : i32
        %dma_wait3A_516 = arith.constant 0 : i32
        %dma_wait3A_517 = tpu.memref_slice %arg5[%dma_wait3A_515, %dma_wait3A_516] : memref<1024x1024xf32, #tpu.memory_space<hbm>> -> memref<16x1024xf32, #tpu.memory_space<hbm>>
        %dma_wait3A_518 = arith.constant 0 : i32
        %dma_wait3A_519 = arith.constant 0 : i32
        %dma_wait3A_520 = tpu.memref_slice %arg12[%dma_wait3A_518, %dma_wait3A_519] : memref<32x1024xf32, #tpu.memory_space<vmem>> -> memref<16x1024xf32, #tpu.memory_space<vmem>>
        %dma_wait3A_521 = arith.constant 512 : i32
        %dma_wait3A_522 = arith.constant 0 : i32
        %dma_wait3A_523 = tpu.memref_slice %arg5[%dma_wait3A_521, %dma_wait3A_522] : memref<1024x1024xf32, #tpu.memory_space<hbm>> -> memref<16x1024xf32, #tpu.memory_space<hbm>>
        tpu.wait_dma2 semaphore(%run_scoped3A_499 : memref<!tpu.dma_semaphore, #tpu.memory_space<semaphore_mem>>) src(%dma_wait3A_523 : memref<16x1024xf32, #tpu.memory_space<hbm>>) dst(%dma_wait3A_520 : memref<16x1024xf32, #tpu.memory_space<vmem>>)
        tpu.yield
      }) : () -> ()
      %scan3A_482 = arith.constant 0 : i32
      %scan3A_483 = arith.constant 0 : i32
      %scan3A_484 = arith.constant 16 : i32
      %scan3A_485 = arith.addi %scan3A_483, %scan3A_484 : i32
      %scan3A_486 = arith.constant 1 : i32
      scf.for %scan3A_499 = %scan3A_483 to %scan3A_485 step %scan3A_486  : i32 {
        %scan3A_500 = arith.constant 0 : i32
        %scan3A_501 = arith.constant 64 : i32
        %scan3A_502 = arith.addi %scan3A_500, %scan3A_501 : i32
        %scan3A_503 = arith.constant 1 : i32
        scf.for %scan3A_505 = %scan3A_500 to %scan3A_502 step %scan3A_503  : i32 {
          %mul3A_506 = arith.constant 16 : i32
          %mul3A_507 = arith.muli %scan3A_505, %mul3A_506 : i32
          %get3A = arith.index_cast %arg1 : i32 to index
          %get3A_508 = arith.index_cast %mul3A_507 : i32 to index
          %get3A_509 = tpu.vector_load %arg11[%get3A, %get3A_508] {strides = array<i32>} : memref<32x1024xf32, #tpu.memory_space<vmem>>, vector<1x16xf32>,
          %get3A_510 = vector.shape_cast %get3A_509 : vector<1x16xf32> to vector<16xf32>
          %get3A_511 = arith.index_cast %scan3A_499 : i32 to index
          %get3A_512 = arith.index_cast %mul3A_507 : i32 to index
          %get3A_513 = tpu.vector_load %arg12[%get3A_511, %get3A_512] {strides = array<i32>} : memref<32x1024xf32, #tpu.memory_space<vmem>>, vector<1x16xf32>,
          %get3A_514 = vector.shape_cast %get3A_513 : vector<1x16xf32> to vector<16xf32>
          %add3A_515 = arith.addf %get3A_510, %get3A_514 : vector<16xf32>
          %swap3A = arith.index_cast %scan3A_499 : i32 to index
          %swap3A_516 = arith.index_cast %mul3A_507 : i32 to index
          %swap3A_517 = tpu.vector_load %arg13[%swap3A, %swap3A_516] {strides = array<i32>} : memref<32x1024xf32, #tpu.memory_space<vmem>>, vector<1x16xf32>,
          %swap3A_518 = vector.shape_cast %swap3A_517 : vector<1x16xf32> to vector<16xf32>
          %swap3A_519 = vector.shape_cast %add3A_515 : vector<16xf32> to vector<1x16xf32>
          tpu.vector_store %arg13[%swap3A, %swap3A_516], %swap3A_519 {strides = array<i32>} : memref<32x1024xf32, #tpu.memory_space<vmem>>, vector<1x16xf32>,
        }
        %scan3A_504 = arith.constant 64 : i32
      }
      %scan3A_487 = arith.constant 16 : i32
      %mul3A_488 = arith.constant 16 : i32
      %mul3A_489 = arith.muli %arg1, %mul3A_488 : i32
      %run_scoped3A = arith.constant 0 : i32
      "tpu.region"() ({
        %run_scoped3A_499 = tpu.sem_alloc : memref<!tpu.dma_semaphore, #tpu.memory_space<semaphore_mem>>
        %dma_start3A_500 = arith.constant 0 : i32
        %dma_start3A_501 = arith.constant 0 : i32
        %dma_start3A_502 = tpu.memref_slice %arg13[%dma_start3A_500, %dma_start3A_501] : memref<32x1024xf32, #tpu.memory_space<vmem>> -> memref<16x1024xf32, #tpu.memory_space<vmem>>
        %dma_start3A_503 = arith.constant 0 : i32
        %dma_start3A_504 = tpu.memref_slice %arg7[%arg0, %run_scoped3A, %mul3A_489, %dma_start3A_503] : memref<2x4x144x1024xf32, #tpu.memory_space<hbm>> -> memref<1x1x16x1024xf32, #tpu.memory_space<hbm>>
        %dma_start3A_505 = tpu.memref_squeeze %dma_start3A_504 : memref<1x1x16x1024xf32, #tpu.memory_space<hbm>> -> memref<16x1024xf32, #tpu.memory_space<hbm>>
        %dma_start3A_506 = arith.constant 0 : i32
        %dma_start3A_507 = tpu.memref_slice %arg7[%arg0, %run_scoped3A, %mul3A_489, %dma_start3A_506] : memref<2x4x144x1024xf32, #tpu.memory_space<hbm>> -> memref<1x1x16x1024xf32, #tpu.memory_space<hbm>>
        %dma_start3A_508 = tpu.memref_squeeze %dma_start3A_507 : memref<1x1x16x1024xf32, #tpu.memory_space<hbm>> -> memref<16x1024xf32, #tpu.memory_space<hbm>>
        %dma_start3A_509 = arith.constant 0 : i32
        %dma_start3A_510 = arith.constant 0 : i32
        %dma_start3A_511 = tpu.memref_slice %arg13[%dma_start3A_509, %dma_start3A_510] : memref<32x1024xf32, #tpu.memory_space<vmem>> -> memref<16x1024xf32, #tpu.memory_space<vmem>>
        tpu.enqueue_dma source(%dma_start3A_511 : memref<16x1024xf32, #tpu.memory_space<vmem>>) target(%dma_start3A_508 : memref<16x1024xf32, #tpu.memory_space<hbm>>) target_semaphore(%run_scoped3A_499 : memref<!tpu.dma_semaphore, #tpu.memory_space<semaphore_mem>>)
        %dma_wait3A_512 = arith.constant 0 : i32
        %dma_wait3A_513 = arith.constant 0 : i32
        %dma_wait3A_514 = tpu.memref_slice %arg13[%dma_wait3A_512, %dma_wait3A_513] : memref<32x1024xf32, #tpu.memory_space<vmem>> -> memref<16x1024xf32, #tpu.memory_space<vmem>>
        %dma_wait3A_515 = arith.constant 0 : i32
        %dma_wait3A_516 = tpu.memref_slice %arg7[%arg0, %run_scoped3A, %mul3A_489, %dma_wait3A_515] : memref<2x4x144x1024xf32, #tpu.memory_space<hbm>> -> memref<1x1x16x1024xf32, #tpu.memory_space<hbm>>
        %dma_wait3A_517 = tpu.memref_squeeze %dma_wait3A_516 : memref<1x1x16x1024xf32, #tpu.memory_space<hbm>> -> memref<16x1024xf32, #tpu.memory_space<hbm>>
        %dma_wait3A_518 = arith.constant 0 : i32
        %dma_wait3A_519 = tpu.memref_slice %arg7[%arg0, %run_scoped3A, %mul3A_489, %dma_wait3A_518] : memref<2x4x144x1024xf32, #tpu.memory_space<hbm>> -> memref<1x1x16x1024xf32, #tpu.memory_space<hbm>>
        %dma_wait3A_520 = tpu.memref_squeeze %dma_wait3A_519 : memref<1x1x16x1024xf32, #tpu.memory_space<hbm>> -> memref<16x1024xf32, #tpu.memory_space<hbm>>
        %dma_wait3A_521 = arith.constant 0 : i32
        %dma_wait3A_522 = arith.constant 0 : i32
        %dma_wait3A_523 = tpu.memref_slice %arg13[%dma_wait3A_521, %dma_wait3A_522] : memref<32x1024xf32, #tpu.memory_space<vmem>> -> memref<16x1024xf32, #tpu.memory_space<vmem>>
        tpu.wait_dma2 semaphore(%run_scoped3A_499 : memref<!tpu.dma_semaphore, #tpu.memory_space<semaphore_mem>>) src(%dma_wait3A_523 : memref<16x1024xf32, #tpu.memory_space<vmem>>) dst(%dma_wait3A_520 : memref<16x1024xf32, #tpu.memory_space<hbm>>)
        tpu.yield
      }) : () -> ()
      %mul3A_490 = arith.constant 16 : i32
      %mul3A_491 = arith.muli %arg1, %mul3A_490 : i32
      %run_scoped3A_492 = arith.constant 1 : i32
      "tpu.region"() ({
        %run_scoped3A_499 = tpu.sem_alloc : memref<!tpu.dma_semaphore, #tpu.memory_space<semaphore_mem>>
        %dma_start3A_500 = arith.constant 0 : i32
        %dma_start3A_501 = arith.constant 0 : i32
        %dma_start3A_502 = tpu.memref_slice %arg13[%dma_start3A_500, %dma_start3A_501] : memref<32x1024xf32, #tpu.memory_space<vmem>> -> memref<16x1024xf32, #tpu.memory_space<vmem>>
        %dma_start3A_503 = arith.constant 0 : i32
        %dma_start3A_504 = tpu.memref_slice %arg7[%arg0, %run_scoped3A_492, %mul3A_491, %dma_start3A_503] : memref<2x4x144x1024xf32, #tpu.memory_space<hbm>> -> memref<1x1x16x1024xf32, #tpu.memory_space<hbm>>
        %dma_start3A_505 = tpu.memref_squeeze %dma_start3A_504 : memref<1x1x16x1024xf32, #tpu.memory_space<hbm>> -> memref<16x1024xf32, #tpu.memory_space<hbm>>
        %dma_start3A_506 = arith.constant 0 : i32
        %dma_start3A_507 = tpu.memref_slice %arg7[%arg0, %run_scoped3A_492, %mul3A_491, %dma_start3A_506] : memref<2x4x144x1024xf32, #tpu.memory_space<hbm>> -> memref<1x1x16x1024xf32, #tpu.memory_space<hbm>>
        %dma_start3A_508 = tpu.memref_squeeze %dma_start3A_507 : memref<1x1x16x1024xf32, #tpu.memory_space<hbm>> -> memref<16x1024xf32, #tpu.memory_space<hbm>>
        %dma_start3A_509 = arith.constant 0 : i32
        %dma_start3A_510 = arith.constant 0 : i32
        %dma_start3A_511 = tpu.memref_slice %arg13[%dma_start3A_509, %dma_start3A_510] : memref<32x1024xf32, #tpu.memory_space<vmem>> -> memref<16x1024xf32, #tpu.memory_space<vmem>>
        tpu.enqueue_dma source(%dma_start3A_511 : memref<16x1024xf32, #tpu.memory_space<vmem>>) target(%dma_start3A_508 : memref<16x1024xf32, #tpu.memory_space<hbm>>) target_semaphore(%run_scoped3A_499 : memref<!tpu.dma_semaphore, #tpu.memory_space<semaphore_mem>>)
        %dma_wait3A_512 = arith.constant 0 : i32
        %dma_wait3A_513 = arith.constant 0 : i32
        %dma_wait3A_514 = tpu.memref_slice %arg13[%dma_wait3A_512, %dma_wait3A_513] : memref<32x1024xf32, #tpu.memory_space<vmem>> -> memref<16x1024xf32, #tpu.memory_space<vmem>>
        %dma_wait3A_515 = arith.constant 0 : i32
        %dma_wait3A_516 = tpu.memref_slice %arg7[%arg0, %run_scoped3A_492, %mul3A_491, %dma_wait3A_515] : memref<2x4x144x1024xf32, #tpu.memory_space<hbm>> -> memref<1x1x16x1024xf32, #tpu.memory_space<hbm>>
        %dma_wait3A_517 = tpu.memref_squeeze %dma_wait3A_516 : memref<1x1x16x1024xf32, #tpu.memory_space<hbm>> -> memref<16x1024xf32, #tpu.memory_space<hbm>>
        %dma_wait3A_518 = arith.constant 0 : i32
        %dma_wait3A_519 = tpu.memref_slice %arg7[%arg0, %run_scoped3A_492, %mul3A_491, %dma_wait3A_518] : memref<2x4x144x1024xf32, #tpu.memory_space<hbm>> -> memref<1x1x16x1024xf32, #tpu.memory_space<hbm>>
        %dma_wait3A_520 = tpu.memref_squeeze %dma_wait3A_519 : memref<1x1x16x1024xf32, #tpu.memory_space<hbm>> -> memref<16x1024xf32, #tpu.memory_space<hbm>>
        %dma_wait3A_521 = arith.constant 0 : i32
        %dma_wait3A_522 = arith.constant 0 : i32
        %dma_wait3A_523 = tpu.memref_slice %arg13[%dma_wait3A_521, %dma_wait3A_522] : memref<32x1024xf32, #tpu.memory_space<vmem>> -> memref<16x1024xf32, #tpu.memory_space<vmem>>
        tpu.wait_dma2 semaphore(%run_scoped3A_499 : memref<!tpu.dma_semaphore, #tpu.memory_space<semaphore_mem>>) src(%dma_wait3A_523 : memref<16x1024xf32, #tpu.memory_space<vmem>>) dst(%dma_wait3A_520 : memref<16x1024xf32, #tpu.memory_space<hbm>>)
        tpu.yield
      }) : () -> ()
      %mul3A_493 = arith.constant 16 : i32
      %mul3A_494 = arith.muli %arg1, %mul3A_493 : i32
      %run_scoped3A_495 = arith.constant 2 : i32
      "tpu.region"() ({
        %run_scoped3A_499 = tpu.sem_alloc : memref<!tpu.dma_semaphore, #tpu.memory_space<semaphore_mem>>
        %dma_start3A_500 = arith.constant 0 : i32
        %dma_start3A_501 = arith.constant 0 : i32
        %dma_start3A_502 = tpu.memref_slice %arg13[%dma_start3A_500, %dma_start3A_501] : memref<32x1024xf32, #tpu.memory_space<vmem>> -> memref<16x1024xf32, #tpu.memory_space<vmem>>
        %dma_start3A_503 = arith.constant 0 : i32
        %dma_start3A_504 = tpu.memref_slice %arg7[%arg0, %run_scoped3A_495, %mul3A_494, %dma_start3A_503] : memref<2x4x144x1024xf32, #tpu.memory_space<hbm>> -> memref<1x1x16x1024xf32, #tpu.memory_space<hbm>>
        %dma_start3A_505 = tpu.memref_squeeze %dma_start3A_504 : memref<1x1x16x1024xf32, #tpu.memory_space<hbm>> -> memref<16x1024xf32, #tpu.memory_space<hbm>>
        %dma_start3A_506 = arith.constant 0 : i32
        %dma_start3A_507 = tpu.memref_slice %arg7[%arg0, %run_scoped3A_495, %mul3A_494, %dma_start3A_506] : memref<2x4x144x1024xf32, #tpu.memory_space<hbm>> -> memref<1x1x16x1024xf32, #tpu.memory_space<hbm>>
        %dma_start3A_508 = tpu.memref_squeeze %dma_start3A_507 : memref<1x1x16x1024xf32, #tpu.memory_space<hbm>> -> memref<16x1024xf32, #tpu.memory_space<hbm>>
        %dma_start3A_509 = arith.constant 0 : i32
        %dma_start3A_510 = arith.constant 0 : i32
        %dma_start3A_511 = tpu.memref_slice %arg13[%dma_start3A_509, %dma_start3A_510] : memref<32x1024xf32, #tpu.memory_space<vmem>> -> memref<16x1024xf32, #tpu.memory_space<vmem>>
        tpu.enqueue_dma source(%dma_start3A_511 : memref<16x1024xf32, #tpu.memory_space<vmem>>) target(%dma_start3A_508 : memref<16x1024xf32, #tpu.memory_space<hbm>>) target_semaphore(%run_scoped3A_499 : memref<!tpu.dma_semaphore, #tpu.memory_space<semaphore_mem>>)
        %dma_wait3A_512 = arith.constant 0 : i32
        %dma_wait3A_513 = arith.constant 0 : i32
        %dma_wait3A_514 = tpu.memref_slice %arg13[%dma_wait3A_512, %dma_wait3A_513] : memref<32x1024xf32, #tpu.memory_space<vmem>> -> memref<16x1024xf32, #tpu.memory_space<vmem>>
        %dma_wait3A_515 = arith.constant 0 : i32
        %dma_wait3A_516 = tpu.memref_slice %arg7[%arg0, %run_scoped3A_495, %mul3A_494, %dma_wait3A_515] : memref<2x4x144x1024xf32, #tpu.memory_space<hbm>> -> memref<1x1x16x1024xf32, #tpu.memory_space<hbm>>
        %dma_wait3A_517 = tpu.memref_squeeze %dma_wait3A_516 : memref<1x1x16x1024xf32, #tpu.memory_space<hbm>> -> memref<16x1024xf32, #tpu.memory_space<hbm>>
        %dma_wait3A_518 = arith.constant 0 : i32
        %dma_wait3A_519 = tpu.memref_slice %arg7[%arg0, %run_scoped3A_495, %mul3A_494, %dma_wait3A_518] : memref<2x4x144x1024xf32, #tpu.memory_space<hbm>> -> memref<1x1x16x1024xf32, #tpu.memory_space<hbm>>
        %dma_wait3A_520 = tpu.memref_squeeze %dma_wait3A_519 : memref<1x1x16x1024xf32, #tpu.memory_space<hbm>> -> memref<16x1024xf32, #tpu.memory_space<hbm>>
        %dma_wait3A_521 = arith.constant 0 : i32
        %dma_wait3A_522 = arith.constant 0 : i32
        %dma_wait3A_523 = tpu.memref_slice %arg13[%dma_wait3A_521, %dma_wait3A_522] : memref<32x1024xf32, #tpu.memory_space<vmem>> -> memref<16x1024xf32, #tpu.memory_space<vmem>>
        tpu.wait_dma2 semaphore(%run_scoped3A_499 : memref<!tpu.dma_semaphore, #tpu.memory_space<semaphore_mem>>) src(%dma_wait3A_523 : memref<16x1024xf32, #tpu.memory_space<vmem>>) dst(%dma_wait3A_520 : memref<16x1024xf32, #tpu.memory_space<hbm>>)
        tpu.yield
      }) : () -> ()
      %mul3A_496 = arith.constant 16 : i32
      %mul3A_497 = arith.muli %arg1, %mul3A_496 : i32
      %run_scoped3A_498 = arith.constant 3 : i32
      "tpu.region"() ({
        %run_scoped3A_499 = tpu.sem_alloc : memref<!tpu.dma_semaphore, #tpu.memory_space<semaphore_mem>>
        %dma_start3A_500 = arith.constant 0 : i32
        %dma_start3A_501 = arith.constant 0 : i32
        %dma_start3A_502 = tpu.memref_slice %arg13[%dma_start3A_500, %dma_start3A_501] : memref<32x1024xf32, #tpu.memory_space<vmem>> -> memref<16x1024xf32, #tpu.memory_space<vmem>>
        %dma_start3A_503 = arith.constant 0 : i32
        %dma_start3A_504 = tpu.memref_slice %arg7[%arg0, %run_scoped3A_498, %mul3A_497, %dma_start3A_503] : memref<2x4x144x1024xf32, #tpu.memory_space<hbm>> -> memref<1x1x16x1024xf32, #tpu.memory_space<hbm>>
        %dma_start3A_505 = tpu.memref_squeeze %dma_start3A_504 : memref<1x1x16x1024xf32, #tpu.memory_space<hbm>> -> memref<16x1024xf32, #tpu.memory_space<hbm>>
        %dma_start3A_506 = arith.constant 0 : i32
        %dma_start3A_507 = tpu.memref_slice %arg7[%arg0, %run_scoped3A_498, %mul3A_497, %dma_start3A_506] : memref<2x4x144x1024xf32, #tpu.memory_space<hbm>> -> memref<1x1x16x1024xf32, #tpu.memory_space<hbm>>
        %dma_start3A_508 = tpu.memref_squeeze %dma_start3A_507 : memref<1x1x16x1024xf32, #tpu.memory_space<hbm>> -> memref<16x1024xf32, #tpu.memory_space<hbm>>
        %dma_start3A_509 = arith.constant 0 : i32
        %dma_start3A_510 = arith.constant 0 : i32
        %dma_start3A_511 = tpu.memref_slice %arg13[%dma_start3A_509, %dma_start3A_510] : memref<32x1024xf32, #tpu.memory_space<vmem>> -> memref<16x1024xf32, #tpu.memory_space<vmem>>
        tpu.enqueue_dma source(%dma_start3A_511 : memref<16x1024xf32, #tpu.memory_space<vmem>>) target(%dma_start3A_508 : memref<16x1024xf32, #tpu.memory_space<hbm>>) target_semaphore(%run_scoped3A_499 : memref<!tpu.dma_semaphore, #tpu.memory_space<semaphore_mem>>)
        %dma_wait3A_512 = arith.constant 0 : i32
        %dma_wait3A_513 = arith.constant 0 : i32
        %dma_wait3A_514 = tpu.memref_slice %arg13[%dma_wait3A_512, %dma_wait3A_513] : memref<32x1024xf32, #tpu.memory_space<vmem>> -> memref<16x1024xf32, #tpu.memory_space<vmem>>
        %dma_wait3A_515 = arith.constant 0 : i32
        %dma_wait3A_516 = tpu.memref_slice %arg7[%arg0, %run_scoped3A_498, %mul3A_497, %dma_wait3A_515] : memref<2x4x144x1024xf32, #tpu.memory_space<hbm>> -> memref<1x1x16x1024xf32, #tpu.memory_space<hbm>>
        %dma_wait3A_517 = tpu.memref_squeeze %dma_wait3A_516 : memref<1x1x16x1024xf32, #tpu.memory_space<hbm>> -> memref<16x1024xf32, #tpu.memory_space<hbm>>
        %dma_wait3A_518 = arith.constant 0 : i32
        %dma_wait3A_519 = tpu.memref_slice %arg7[%arg0, %run_scoped3A_498, %mul3A_497, %dma_wait3A_518] : memref<2x4x144x1024xf32, #tpu.memory_space<hbm>> -> memref<1x1x16x1024xf32, #tpu.memory_space<hbm>>
        %dma_wait3A_520 = tpu.memref_squeeze %dma_wait3A_519 : memref<1x1x16x1024xf32, #tpu.memory_space<hbm>> -> memref<16x1024xf32, #tpu.memory_space<hbm>>
        %dma_wait3A_521 = arith.constant 0 : i32
        %dma_wait3A_522 = arith.constant 0 : i32
        %dma_wait3A_523 = tpu.memref_slice %arg13[%dma_wait3A_521, %dma_wait3A_522] : memref<32x1024xf32, #tpu.memory_space<vmem>> -> memref<16x1024xf32, #tpu.memory_space<vmem>>
        tpu.wait_dma2 semaphore(%run_scoped3A_499 : memref<!tpu.dma_semaphore, #tpu.memory_space<semaphore_mem>>) src(%dma_wait3A_523 : memref<16x1024xf32, #tpu.memory_space<vmem>>) dst(%dma_wait3A_520 : memref<16x1024xf32, #tpu.memory_space<hbm>>)
        tpu.yield
      }) : () -> ()
    } else {
    }
    %barrier3A = arith.constant 0 : index
    tpu.barrier barrier_id(%barrier3A)
    %jit3A = arith.constant 4 : i32
    %eq3A = arith.constant 0 : i32
    %eq3A_10 = arith.cmpi eq, %jit3A, %eq3A : i32
    %jit3A_11 = arith.constant 1 : i32
    %select_n3A = arith.select %eq3A_10, %jit3A_11, %jit3A : i32
    %rem3A = arith.remsi %arg1, %select_n3A : i32
    %ne3A = arith.constant 0 : i32
    %ne3A_12 = arith.cmpi ne, %rem3A, %ne3A : i32
    %lt3A_13 = arith.constant 0 : i32
    %lt3A_14 = arith.cmpi slt, %rem3A, %lt3A_13 : i32
    %lt3A_15 = arith.constant 0 : i32
    %lt3A_16 = arith.cmpi slt, %select_n3A, %lt3A_15 : i32
    %ne3A_17 = arith.xori %lt3A_14, %lt3A_16 : i1
    %and3A = arith.andi %ne3A_17, %ne3A_12 : i1
    %add3A_18 = arith.addi %rem3A, %select_n3A : i32
    %select_n3A_19 = arith.select %and3A, %add3A_18, %rem3A : i32
    %dma_start3A = arith.constant 0 : i32
    %dma_start3A_20 = arith.constant 0 : i32
    %dma_start3A_21 = tpu.memref_slice %arg11[%dma_start3A, %dma_start3A_20] : memref<32x1024xf32, #tpu.memory_space<vmem>> -> memref<16x1024xf32, #tpu.memory_space<vmem>>
    %dma_start3A_22 = arith.constant 0 : i32
    %dma_start3A_23 = tpu.memref_slice %arg10[%dma_start3A_22] : memref<256xi32, #tpu.memory_space<vmem>> -> memref<16xi32, #tpu.memory_space<vmem>>
    %dma_start3A_24 = arith.constant 0 : i32
    %dma_start3A_25 = arith.constant 0 : i32
    %dma_start3A_26 = tpu.memref_slice %arg7[%arg0, %select_n3A_19, %dma_start3A_24, %dma_start3A_25] : memref<2x4x144x1024xf32, #tpu.memory_space<hbm>> -> memref<1x1x144x1024xf32, #tpu.memory_space<hbm>>
    %dma_start3A_27 = tpu.memref_squeeze %dma_start3A_26 : memref<1x1x144x1024xf32, #tpu.memory_space<hbm>> -> memref<144x1024xf32, #tpu.memory_space<hbm>>
    %dma_start3A_28 = arith.constant 0 : i32
    %dma_start3A_29 = arith.constant 0 : i32
    %dma_start3A_30 = tpu.memref_slice %dma_start3A_27[%dma_start3A_28, %dma_start3A_29] : memref<144x1024xf32, #tpu.memory_space<hbm>> -> memref<144x1024xf32, #tpu.memory_space<hbm>>
    tpu.enqueue_indirect_dma source(%dma_start3A_30 : memref<144x1024xf32, #tpu.memory_space<hbm>>) target(%dma_start3A_21 : memref<16x1024xf32, #tpu.memory_space<vmem>>) offsets(%dma_start3A_23 : memref<16xi32, #tpu.memory_space<vmem>>) semaphore(%arg14 : memref<!tpu.dma_semaphore, #tpu.memory_space<semaphore_mem>>)
    %dma_start3A_31 = arith.constant 16 : i32
    %dma_start3A_32 = arith.constant 0 : i32
    %dma_start3A_33 = tpu.memref_slice %arg11[%dma_start3A_31, %dma_start3A_32] : memref<32x1024xf32, #tpu.memory_space<vmem>> -> memref<16x1024xf32, #tpu.memory_space<vmem>>
    %dma_start3A_34 = arith.constant 16 : i32
    %dma_start3A_35 = tpu.memref_slice %arg10[%dma_start3A_34] : memref<256xi32, #tpu.memory_space<vmem>> -> memref<16xi32, #tpu.memory_space<vmem>>
    %dma_start3A_36 = arith.constant 0 : i32
    %dma_start3A_37 = arith.constant 0 : i32
    %dma_start3A_38 = tpu.memref_slice %arg7[%arg0, %select_n3A_19, %dma_start3A_36, %dma_start3A_37] : memref<2x4x144x1024xf32, #tpu.memory_space<hbm>> -> memref<1x1x144x1024xf32, #tpu.memory_space<hbm>>
    %dma_start3A_39 = tpu.memref_squeeze %dma_start3A_38 : memref<1x1x144x1024xf32, #tpu.memory_space<hbm>> -> memref<144x1024xf32, #tpu.memory_space<hbm>>
    %dma_start3A_40 = arith.constant 0 : i32
    %dma_start3A_41 = arith.constant 0 : i32
    %dma_start3A_42 = tpu.memref_slice %dma_start3A_39[%dma_start3A_40, %dma_start3A_41] : memref<144x1024xf32, #tpu.memory_space<hbm>> -> memref<144x1024xf32, #tpu.memory_space<hbm>>
    tpu.enqueue_indirect_dma source(%dma_start3A_42 : memref<144x1024xf32, #tpu.memory_space<hbm>>) target(%dma_start3A_33 : memref<16x1024xf32, #tpu.memory_space<vmem>>) offsets(%dma_start3A_35 : memref<16xi32, #tpu.memory_space<vmem>>) semaphore(%arg14 : memref<!tpu.dma_semaphore, #tpu.memory_space<semaphore_mem>>)
    %dma_start3A_43 = arith.constant 0 : i32
    %dma_start3A_44 = arith.constant 0 : i32
    %dma_start3A_45 = tpu.memref_slice %arg12[%dma_start3A_43, %dma_start3A_44] : memref<32x1024xf32, #tpu.memory_space<vmem>> -> memref<16x1024xf32, #tpu.memory_space<vmem>>
    %dma_start3A_46 = arith.constant 32 : i32
    %dma_start3A_47 = tpu.memref_slice %arg10[%dma_start3A_46] : memref<256xi32, #tpu.memory_space<vmem>> -> memref<16xi32, #tpu.memory_space<vmem>>
    %dma_start3A_48 = arith.constant 0 : i32
    %dma_start3A_49 = arith.constant 0 : i32
    %dma_start3A_50 = tpu.memref_slice %arg7[%arg0, %select_n3A_19, %dma_start3A_48, %dma_start3A_49] : memref<2x4x144x1024xf32, #tpu.memory_space<hbm>> -> memref<1x1x144x1024xf32, #tpu.memory_space<hbm>>
    %dma_start3A_51 = tpu.memref_squeeze %dma_start3A_50 : memref<1x1x144x1024xf32, #tpu.memory_space<hbm>> -> memref<144x1024xf32, #tpu.memory_space<hbm>>
    %dma_start3A_52 = arith.constant 0 : i32
    %dma_start3A_53 = arith.constant 0 : i32
    %dma_start3A_54 = tpu.memref_slice %dma_start3A_51[%dma_start3A_52, %dma_start3A_53] : memref<144x1024xf32, #tpu.memory_space<hbm>> -> memref<144x1024xf32, #tpu.memory_space<hbm>>
    tpu.enqueue_indirect_dma source(%dma_start3A_54 : memref<144x1024xf32, #tpu.memory_space<hbm>>) target(%dma_start3A_45 : memref<16x1024xf32, #tpu.memory_space<vmem>>) offsets(%dma_start3A_47 : memref<16xi32, #tpu.memory_space<vmem>>) semaphore(%arg15 : memref<!tpu.dma_semaphore, #tpu.memory_space<semaphore_mem>>)
    %dma_start3A_55 = arith.constant 16 : i32
    %dma_start3A_56 = arith.constant 0 : i32
    %dma_start3A_57 = tpu.memref_slice %arg12[%dma_start3A_55, %dma_start3A_56] : memref<32x1024xf32, #tpu.memory_space<vmem>> -> memref<16x1024xf32, #tpu.memory_space<vmem>>
    %dma_start3A_58 = arith.constant 48 : i32
    %dma_start3A_59 = tpu.memref_slice %arg10[%dma_start3A_58] : memref<256xi32, #tpu.memory_space<vmem>> -> memref<16xi32, #tpu.memory_space<vmem>>
    %dma_start3A_60 = arith.constant 0 : i32
    %dma_start3A_61 = arith.constant 0 : i32
    %dma_start3A_62 = tpu.memref_slice %arg7[%arg0, %select_n3A_19, %dma_start3A_60, %dma_start3A_61] : memref<2x4x144x1024xf32, #tpu.memory_space<hbm>> -> memref<1x1x144x1024xf32, #tpu.memory_space<hbm>>
    %dma_start3A_63 = tpu.memref_squeeze %dma_start3A_62 : memref<1x1x144x1024xf32, #tpu.memory_space<hbm>> -> memref<144x1024xf32, #tpu.memory_space<hbm>>
    %dma_start3A_64 = arith.constant 0 : i32
    %dma_start3A_65 = arith.constant 0 : i32
    %dma_start3A_66 = tpu.memref_slice %dma_start3A_63[%dma_start3A_64, %dma_start3A_65] : memref<144x1024xf32, #tpu.memory_space<hbm>> -> memref<144x1024xf32, #tpu.memory_space<hbm>>
    tpu.enqueue_indirect_dma source(%dma_start3A_66 : memref<144x1024xf32, #tpu.memory_space<hbm>>) target(%dma_start3A_57 : memref<16x1024xf32, #tpu.memory_space<vmem>>) offsets(%dma_start3A_59 : memref<16xi32, #tpu.memory_space<vmem>>) semaphore(%arg15 : memref<!tpu.dma_semaphore, #tpu.memory_space<semaphore_mem>>)
    %dma_start3A_67 = arith.constant 0 : i32
    %dma_start3A_68 = arith.constant 0 : i32
    %dma_start3A_69 = tpu.memref_slice %arg13[%dma_start3A_67, %dma_start3A_68] : memref<32x1024xf32, #tpu.memory_space<vmem>> -> memref<16x1024xf32, #tpu.memory_space<vmem>>
    %dma_start3A_70 = arith.constant 64 : i32
    %dma_start3A_71 = tpu.memref_slice %arg10[%dma_start3A_70] : memref<256xi32, #tpu.memory_space<vmem>> -> memref<16xi32, #tpu.memory_space<vmem>>
    %dma_start3A_72 = arith.constant 0 : i32
    %dma_start3A_73 = arith.constant 0 : i32
    %dma_start3A_74 = tpu.memref_slice %arg7[%arg0, %select_n3A_19, %dma_start3A_72, %dma_start3A_73] : memref<2x4x144x1024xf32, #tpu.memory_space<hbm>> -> memref<1x1x144x1024xf32, #tpu.memory_space<hbm>>
    %dma_start3A_75 = tpu.memref_squeeze %dma_start3A_74 : memref<1x1x144x1024xf32, #tpu.memory_space<hbm>> -> memref<144x1024xf32, #tpu.memory_space<hbm>>
    %dma_start3A_76 = arith.constant 0 : i32
    %dma_start3A_77 = arith.constant 0 : i32
    %dma_start3A_78 = tpu.memref_slice %dma_start3A_75[%dma_start3A_76, %dma_start3A_77] : memref<144x1024xf32, #tpu.memory_space<hbm>> -> memref<144x1024xf32, #tpu.memory_space<hbm>>
    tpu.enqueue_indirect_dma source(%dma_start3A_78 : memref<144x1024xf32, #tpu.memory_space<hbm>>) target(%dma_start3A_69 : memref<16x1024xf32, #tpu.memory_space<vmem>>) offsets(%dma_start3A_71 : memref<16xi32, #tpu.memory_space<vmem>>) semaphore(%arg16 : memref<!tpu.dma_semaphore, #tpu.memory_space<semaphore_mem>>)
    %dma_start3A_79 = arith.constant 16 : i32
    %dma_start3A_80 = arith.constant 0 : i32
    %dma_start3A_81 = tpu.memref_slice %arg13[%dma_start3A_79, %dma_start3A_80] : memref<32x1024xf32, #tpu.memory_space<vmem>> -> memref<16x1024xf32, #tpu.memory_space<vmem>>
    %dma_start3A_82 = arith.constant 80 : i32
    %dma_start3A_83 = tpu.memref_slice %arg10[%dma_start3A_82] : memref<256xi32, #tpu.memory_space<vmem>> -> memref<16xi32, #tpu.memory_space<vmem>>
    %dma_start3A_84 = arith.constant 0 : i32
    %dma_start3A_85 = arith.constant 0 : i32
    %dma_start3A_86 = tpu.memref_slice %arg7[%arg0, %select_n3A_19, %dma_start3A_84, %dma_start3A_85] : memref<2x4x144x1024xf32, #tpu.memory_space<hbm>> -> memref<1x1x144x1024xf32, #tpu.memory_space<hbm>>
    %dma_start3A_87 = tpu.memref_squeeze %dma_start3A_86 : memref<1x1x144x1024xf32, #tpu.memory_space<hbm>> -> memref<144x1024xf32, #tpu.memory_space<hbm>>
    %dma_start3A_88 = arith.constant 0 : i32
    %dma_start3A_89 = arith.constant 0 : i32
    %dma_start3A_90 = tpu.memref_slice %dma_start3A_87[%dma_start3A_88, %dma_start3A_89] : memref<144x1024xf32, #tpu.memory_space<hbm>> -> memref<144x1024xf32, #tpu.memory_space<hbm>>
    tpu.enqueue_indirect_dma source(%dma_start3A_90 : memref<144x1024xf32, #tpu.memory_space<hbm>>) target(%dma_start3A_81 : memref<16x1024xf32, #tpu.memory_space<vmem>>) offsets(%dma_start3A_83 : memref<16xi32, #tpu.memory_space<vmem>>) semaphore(%arg16 : memref<!tpu.dma_semaphore, #tpu.memory_space<semaphore_mem>>)
    %dma_wait3A = arith.constant 0 : i32
    %dma_wait3A_91 = arith.constant 0 : i32
    %dma_wait3A_92 = tpu.memref_slice %arg11[%dma_wait3A, %dma_wait3A_91] : memref<32x1024xf32, #tpu.memory_space<vmem>> -> memref<16x1024xf32, #tpu.memory_space<vmem>>
    %dma_wait3A_93 = arith.constant 0 : i32
    %dma_wait3A_94 = tpu.memref_slice %arg10[%dma_wait3A_93] : memref<256xi32, #tpu.memory_space<vmem>> -> memref<16xi32, #tpu.memory_space<vmem>>
    %dma_wait3A_95 = arith.constant 0 : i32
    %dma_wait3A_96 = arith.constant 0 : i32
    %dma_wait3A_97 = tpu.memref_slice %arg7[%arg0, %select_n3A_19, %dma_wait3A_95, %dma_wait3A_96] : memref<2x4x144x1024xf32, #tpu.memory_space<hbm>> -> memref<1x1x144x1024xf32, #tpu.memory_space<hbm>>
    %dma_wait3A_98 = tpu.memref_squeeze %dma_wait3A_97 : memref<1x1x144x1024xf32, #tpu.memory_space<hbm>> -> memref<144x1024xf32, #tpu.memory_space<hbm>>
    %dma_wait3A_99 = arith.constant 0 : i32
    %dma_wait3A_100 = arith.constant 0 : i32
    %dma_wait3A_101 = tpu.memref_slice %dma_wait3A_98[%dma_wait3A_99, %dma_wait3A_100] : memref<144x1024xf32, #tpu.memory_space<hbm>> -> memref<144x1024xf32, #tpu.memory_space<hbm>>
    tpu.wait_indirect_dma semaphore(%arg14 : memref<!tpu.dma_semaphore, #tpu.memory_space<semaphore_mem>>) src(%dma_wait3A_101 : memref<144x1024xf32, #tpu.memory_space<hbm>>) dst(%dma_wait3A_92 : memref<16x1024xf32, #tpu.memory_space<vmem>>)
    %dma_wait3A_102 = arith.constant 16 : i32
    %dma_wait3A_103 = arith.constant 0 : i32
    %dma_wait3A_104 = tpu.memref_slice %arg11[%dma_wait3A_102, %dma_wait3A_103] : memref<32x1024xf32, #tpu.memory_space<vmem>> -> memref<16x1024xf32, #tpu.memory_space<vmem>>
    %dma_wait3A_105 = arith.constant 16 : i32
    %dma_wait3A_106 = tpu.memref_slice %arg10[%dma_wait3A_105] : memref<256xi32, #tpu.memory_space<vmem>> -> memref<16xi32, #tpu.memory_space<vmem>>
    %dma_wait3A_107 = arith.constant 0 : i32
    %dma_wait3A_108 = arith.constant 0 : i32
    %dma_wait3A_109 = tpu.memref_slice %arg7[%arg0, %select_n3A_19, %dma_wait3A_107, %dma_wait3A_108] : memref<2x4x144x1024xf32, #tpu.memory_space<hbm>> -> memref<1x1x144x1024xf32, #tpu.memory_space<hbm>>
    %dma_wait3A_110 = tpu.memref_squeeze %dma_wait3A_109 : memref<1x1x144x1024xf32, #tpu.memory_space<hbm>> -> memref<144x1024xf32, #tpu.memory_space<hbm>>
    %dma_wait3A_111 = arith.constant 0 : i32
    %dma_wait3A_112 = arith.constant 0 : i32
    %dma_wait3A_113 = tpu.memref_slice %dma_wait3A_110[%dma_wait3A_111, %dma_wait3A_112] : memref<144x1024xf32, #tpu.memory_space<hbm>> -> memref<144x1024xf32, #tpu.memory_space<hbm>>
    tpu.wait_indirect_dma semaphore(%arg14 : memref<!tpu.dma_semaphore, #tpu.memory_space<semaphore_mem>>) src(%dma_wait3A_113 : memref<144x1024xf32, #tpu.memory_space<hbm>>) dst(%dma_wait3A_104 : memref<16x1024xf32, #tpu.memory_space<vmem>>)
    %add3A_114 = arith.constant 0 : i32
    %add3A_115 = arith.addi %mul3A_2, %add3A_114 : i32
    %dma_start3A_116 = arith.constant 0 : i32
    %dma_start3A_117 = tpu.memref_slice %arg6[%add3A_115, %dma_start3A_116] : memref<8192x1024xf32, #tpu.memory_space<hbm>> -> memref<32x1024xf32, #tpu.memory_space<hbm>>
    %dma_start3A_118 = arith.constant 0 : i32
    %dma_start3A_119 = tpu.memref_slice %arg6[%add3A_115, %dma_start3A_118] : memref<8192x1024xf32, #tpu.memory_space<hbm>> -> memref<32x1024xf32, #tpu.memory_space<hbm>>
    tpu.enqueue_dma source(%arg11 : memref<32x1024xf32, #tpu.memory_space<vmem>>) target(%dma_start3A_119 : memref<32x1024xf32, #tpu.memory_space<hbm>>) target_semaphore(%arg14 : memref<!tpu.dma_semaphore, #tpu.memory_space<semaphore_mem>>)
    %dma_wait3A_120 = arith.constant 0 : i32
    %dma_wait3A_121 = arith.constant 0 : i32
    %dma_wait3A_122 = tpu.memref_slice %arg12[%dma_wait3A_120, %dma_wait3A_121] : memref<32x1024xf32, #tpu.memory_space<vmem>> -> memref<16x1024xf32, #tpu.memory_space<vmem>>
    %dma_wait3A_123 = arith.constant 32 : i32
    %dma_wait3A_124 = tpu.memref_slice %arg10[%dma_wait3A_123] : memref<256xi32, #tpu.memory_space<vmem>> -> memref<16xi32, #tpu.memory_space<vmem>>
    %dma_wait3A_125 = arith.constant 0 : i32
    %dma_wait3A_126 = arith.constant 0 : i32
    %dma_wait3A_127 = tpu.memref_slice %arg7[%arg0, %select_n3A_19, %dma_wait3A_125, %dma_wait3A_126] : memref<2x4x144x1024xf32, #tpu.memory_space<hbm>> -> memref<1x1x144x1024xf32, #tpu.memory_space<hbm>>
    %dma_wait3A_128 = tpu.memref_squeeze %dma_wait3A_127 : memref<1x1x144x1024xf32, #tpu.memory_space<hbm>> -> memref<144x1024xf32, #tpu.memory_space<hbm>>
    %dma_wait3A_129 = arith.constant 0 : i32
    %dma_wait3A_130 = arith.constant 0 : i32
    %dma_wait3A_131 = tpu.memref_slice %dma_wait3A_128[%dma_wait3A_129, %dma_wait3A_130] : memref<144x1024xf32, #tpu.memory_space<hbm>> -> memref<144x1024xf32, #tpu.memory_space<hbm>>
    tpu.wait_indirect_dma semaphore(%arg15 : memref<!tpu.dma_semaphore, #tpu.memory_space<semaphore_mem>>) src(%dma_wait3A_131 : memref<144x1024xf32, #tpu.memory_space<hbm>>) dst(%dma_wait3A_122 : memref<16x1024xf32, #tpu.memory_space<vmem>>)
    %dma_wait3A_132 = arith.constant 16 : i32
    %dma_wait3A_133 = arith.constant 0 : i32
    %dma_wait3A_134 = tpu.memref_slice %arg12[%dma_wait3A_132, %dma_wait3A_133] : memref<32x1024xf32, #tpu.memory_space<vmem>> -> memref<16x1024xf32, #tpu.memory_space<vmem>>
    %dma_wait3A_135 = arith.constant 48 : i32
    %dma_wait3A_136 = tpu.memref_slice %arg10[%dma_wait3A_135] : memref<256xi32, #tpu.memory_space<vmem>> -> memref<16xi32, #tpu.memory_space<vmem>>
    %dma_wait3A_137 = arith.constant 0 : i32
    %dma_wait3A_138 = arith.constant 0 : i32
    %dma_wait3A_139 = tpu.memref_slice %arg7[%arg0, %select_n3A_19, %dma_wait3A_137, %dma_wait3A_138] : memref<2x4x144x1024xf32, #tpu.memory_space<hbm>> -> memref<1x1x144x1024xf32, #tpu.memory_space<hbm>>
    %dma_wait3A_140 = tpu.memref_squeeze %dma_wait3A_139 : memref<1x1x144x1024xf32, #tpu.memory_space<hbm>> -> memref<144x1024xf32, #tpu.memory_space<hbm>>
    %dma_wait3A_141 = arith.constant 0 : i32
    %dma_wait3A_142 = arith.constant 0 : i32
    %dma_wait3A_143 = tpu.memref_slice %dma_wait3A_140[%dma_wait3A_141, %dma_wait3A_142] : memref<144x1024xf32, #tpu.memory_space<hbm>> -> memref<144x1024xf32, #tpu.memory_space<hbm>>
    tpu.wait_indirect_dma semaphore(%arg15 : memref<!tpu.dma_semaphore, #tpu.memory_space<semaphore_mem>>) src(%dma_wait3A_143 : memref<144x1024xf32, #tpu.memory_space<hbm>>) dst(%dma_wait3A_134 : memref<16x1024xf32, #tpu.memory_space<vmem>>)
    %add3A_144 = arith.constant 32 : i32
    %add3A_145 = arith.addi %mul3A_2, %add3A_144 : i32
    %dma_start3A_146 = arith.constant 0 : i32
    %dma_start3A_147 = tpu.memref_slice %arg6[%add3A_145, %dma_start3A_146] : memref<8192x1024xf32, #tpu.memory_space<hbm>> -> memref<32x1024xf32, #tpu.memory_space<hbm>>
    %dma_start3A_148 = arith.constant 0 : i32
    %dma_start3A_149 = tpu.memref_slice %arg6[%add3A_145, %dma_start3A_148] : memref<8192x1024xf32, #tpu.memory_space<hbm>> -> memref<32x1024xf32, #tpu.memory_space<hbm>>
    tpu.enqueue_dma source(%arg12 : memref<32x1024xf32, #tpu.memory_space<vmem>>) target(%dma_start3A_149 : memref<32x1024xf32, #tpu.memory_space<hbm>>) target_semaphore(%arg15 : memref<!tpu.dma_semaphore, #tpu.memory_space<semaphore_mem>>)
    %dma_wait3A_150 = arith.constant 0 : i32
    %dma_wait3A_151 = arith.constant 0 : i32
    %dma_wait3A_152 = tpu.memref_slice %arg13[%dma_wait3A_150, %dma_wait3A_151] : memref<32x1024xf32, #tpu.memory_space<vmem>> -> memref<16x1024xf32, #tpu.memory_space<vmem>>
    %dma_wait3A_153 = arith.constant 64 : i32
    %dma_wait3A_154 = tpu.memref_slice %arg10[%dma_wait3A_153] : memref<256xi32, #tpu.memory_space<vmem>> -> memref<16xi32, #tpu.memory_space<vmem>>
    %dma_wait3A_155 = arith.constant 0 : i32
    %dma_wait3A_156 = arith.constant 0 : i32
    %dma_wait3A_157 = tpu.memref_slice %arg7[%arg0, %select_n3A_19, %dma_wait3A_155, %dma_wait3A_156] : memref<2x4x144x1024xf32, #tpu.memory_space<hbm>> -> memref<1x1x144x1024xf32, #tpu.memory_space<hbm>>
    %dma_wait3A_158 = tpu.memref_squeeze %dma_wait3A_157 : memref<1x1x144x1024xf32, #tpu.memory_space<hbm>> -> memref<144x1024xf32, #tpu.memory_space<hbm>>
    %dma_wait3A_159 = arith.constant 0 : i32
    %dma_wait3A_160 = arith.constant 0 : i32
    %dma_wait3A_161 = tpu.memref_slice %dma_wait3A_158[%dma_wait3A_159, %dma_wait3A_160] : memref<144x1024xf32, #tpu.memory_space<hbm>> -> memref<144x1024xf32, #tpu.memory_space<hbm>>
    tpu.wait_indirect_dma semaphore(%arg16 : memref<!tpu.dma_semaphore, #tpu.memory_space<semaphore_mem>>) src(%dma_wait3A_161 : memref<144x1024xf32, #tpu.memory_space<hbm>>) dst(%dma_wait3A_152 : memref<16x1024xf32, #tpu.memory_space<vmem>>)
    %dma_wait3A_162 = arith.constant 16 : i32
    %dma_wait3A_163 = arith.constant 0 : i32
    %dma_wait3A_164 = tpu.memref_slice %arg13[%dma_wait3A_162, %dma_wait3A_163] : memref<32x1024xf32, #tpu.memory_space<vmem>> -> memref<16x1024xf32, #tpu.memory_space<vmem>>
    %dma_wait3A_165 = arith.constant 80 : i32
    %dma_wait3A_166 = tpu.memref_slice %arg10[%dma_wait3A_165] : memref<256xi32, #tpu.memory_space<vmem>> -> memref<16xi32, #tpu.memory_space<vmem>>
    %dma_wait3A_167 = arith.constant 0 : i32
    %dma_wait3A_168 = arith.constant 0 : i32
    %dma_wait3A_169 = tpu.memref_slice %arg7[%arg0, %select_n3A_19, %dma_wait3A_167, %dma_wait3A_168] : memref<2x4x144x1024xf32, #tpu.memory_space<hbm>> -> memref<1x1x144x1024xf32, #tpu.memory_space<hbm>>
    %dma_wait3A_170 = tpu.memref_squeeze %dma_wait3A_169 : memref<1x1x144x1024xf32, #tpu.memory_space<hbm>> -> memref<144x1024xf32, #tpu.memory_space<hbm>>
    %dma_wait3A_171 = arith.constant 0 : i32
    %dma_wait3A_172 = arith.constant 0 : i32
    %dma_wait3A_173 = tpu.memref_slice %dma_wait3A_170[%dma_wait3A_171, %dma_wait3A_172] : memref<144x1024xf32, #tpu.memory_space<hbm>> -> memref<144x1024xf32, #tpu.memory_space<hbm>>
    tpu.wait_indirect_dma semaphore(%arg16 : memref<!tpu.dma_semaphore, #tpu.memory_space<semaphore_mem>>) src(%dma_wait3A_173 : memref<144x1024xf32, #tpu.memory_space<hbm>>) dst(%dma_wait3A_164 : memref<16x1024xf32, #tpu.memory_space<vmem>>)
    %add3A_174 = arith.constant 64 : i32
    %add3A_175 = arith.addi %mul3A_2, %add3A_174 : i32
    %dma_start3A_176 = arith.constant 0 : i32
    %dma_start3A_177 = tpu.memref_slice %arg6[%add3A_175, %dma_start3A_176] : memref<8192x1024xf32, #tpu.memory_space<hbm>> -> memref<32x1024xf32, #tpu.memory_space<hbm>>
    %dma_start3A_178 = arith.constant 0 : i32
    %dma_start3A_179 = tpu.memref_slice %arg6[%add3A_175, %dma_start3A_178] : memref<8192x1024xf32, #tpu.memory_space<hbm>> -> memref<32x1024xf32, #tpu.memory_space<hbm>>
    tpu.enqueue_dma source(%arg13 : memref<32x1024xf32, #tpu.memory_space<vmem>>) target(%dma_start3A_179 : memref<32x1024xf32, #tpu.memory_space<hbm>>) target_semaphore(%arg16 : memref<!tpu.dma_semaphore, #tpu.memory_space<semaphore_mem>>)
    %dma_wait3A_180 = arith.constant 0 : i32
    %dma_wait3A_181 = tpu.memref_slice %arg6[%add3A_115, %dma_wait3A_180] : memref<8192x1024xf32, #tpu.memory_space<hbm>> -> memref<32x1024xf32, #tpu.memory_space<hbm>>
    %dma_wait3A_182 = arith.constant 0 : i32
    %dma_wait3A_183 = tpu.memref_slice %arg6[%add3A_115, %dma_wait3A_182] : memref<8192x1024xf32, #tpu.memory_space<hbm>> -> memref<32x1024xf32, #tpu.memory_space<hbm>>
    tpu.wait_dma2 semaphore(%arg14 : memref<!tpu.dma_semaphore, #tpu.memory_space<semaphore_mem>>) src(%arg11 : memref<32x1024xf32, #tpu.memory_space<vmem>>) dst(%dma_wait3A_183 : memref<32x1024xf32, #tpu.memory_space<hbm>>)
    %dma_start3A_184 = arith.constant 0 : i32
    %dma_start3A_185 = arith.constant 0 : i32
    %dma_start3A_186 = tpu.memref_slice %arg11[%dma_start3A_184, %dma_start3A_185] : memref<32x1024xf32, #tpu.memory_space<vmem>> -> memref<16x1024xf32, #tpu.memory_space<vmem>>
    %dma_start3A_187 = arith.constant 96 : i32
    %dma_start3A_188 = tpu.memref_slice %arg10[%dma_start3A_187] : memref<256xi32, #tpu.memory_space<vmem>> -> memref<16xi32, #tpu.memory_space<vmem>>
    %dma_start3A_189 = arith.constant 0 : i32
    %dma_start3A_190 = arith.constant 0 : i32
    %dma_start3A_191 = tpu.memref_slice %arg7[%arg0, %select_n3A_19, %dma_start3A_189, %dma_start3A_190] : memref<2x4x144x1024xf32, #tpu.memory_space<hbm>> -> memref<1x1x144x1024xf32, #tpu.memory_space<hbm>>
    %dma_start3A_192 = tpu.memref_squeeze %dma_start3A_191 : memref<1x1x144x1024xf32, #tpu.memory_space<hbm>> -> memref<144x1024xf32, #tpu.memory_space<hbm>>
    %dma_start3A_193 = arith.constant 0 : i32
    %dma_start3A_194 = arith.constant 0 : i32
    %dma_start3A_195 = tpu.memref_slice %dma_start3A_192[%dma_start3A_193, %dma_start3A_194] : memref<144x1024xf32, #tpu.memory_space<hbm>> -> memref<144x1024xf32, #tpu.memory_space<hbm>>
    tpu.enqueue_indirect_dma source(%dma_start3A_195 : memref<144x1024xf32, #tpu.memory_space<hbm>>) target(%dma_start3A_186 : memref<16x1024xf32, #tpu.memory_space<vmem>>) offsets(%dma_start3A_188 : memref<16xi32, #tpu.memory_space<vmem>>) semaphore(%arg14 : memref<!tpu.dma_semaphore, #tpu.memory_space<semaphore_mem>>)
    %dma_start3A_196 = arith.constant 16 : i32
    %dma_start3A_197 = arith.constant 0 : i32
    %dma_start3A_198 = tpu.memref_slice %arg11[%dma_start3A_196, %dma_start3A_197] : memref<32x1024xf32, #tpu.memory_space<vmem>> -> memref<16x1024xf32, #tpu.memory_space<vmem>>
    %dma_start3A_199 = arith.constant 112 : i32
    %dma_start3A_200 = tpu.memref_slice %arg10[%dma_start3A_199] : memref<256xi32, #tpu.memory_space<vmem>> -> memref<16xi32, #tpu.memory_space<vmem>>
    %dma_start3A_201 = arith.constant 0 : i32
    %dma_start3A_202 = arith.constant 0 : i32
    %dma_start3A_203 = tpu.memref_slice %arg7[%arg0, %select_n3A_19, %dma_start3A_201, %dma_start3A_202] : memref<2x4x144x1024xf32, #tpu.memory_space<hbm>> -> memref<1x1x144x1024xf32, #tpu.memory_space<hbm>>
    %dma_start3A_204 = tpu.memref_squeeze %dma_start3A_203 : memref<1x1x144x1024xf32, #tpu.memory_space<hbm>> -> memref<144x1024xf32, #tpu.memory_space<hbm>>
    %dma_start3A_205 = arith.constant 0 : i32
    %dma_start3A_206 = arith.constant 0 : i32
    %dma_start3A_207 = tpu.memref_slice %dma_start3A_204[%dma_start3A_205, %dma_start3A_206] : memref<144x1024xf32, #tpu.memory_space<hbm>> -> memref<144x1024xf32, #tpu.memory_space<hbm>>
    tpu.enqueue_indirect_dma source(%dma_start3A_207 : memref<144x1024xf32, #tpu.memory_space<hbm>>) target(%dma_start3A_198 : memref<16x1024xf32, #tpu.memory_space<vmem>>) offsets(%dma_start3A_200 : memref<16xi32, #tpu.memory_space<vmem>>) semaphore(%arg14 : memref<!tpu.dma_semaphore, #tpu.memory_space<semaphore_mem>>)
    %dma_wait3A_208 = arith.constant 0 : i32
    %dma_wait3A_209 = arith.constant 0 : i32
    %dma_wait3A_210 = tpu.memref_slice %arg11[%dma_wait3A_208, %dma_wait3A_209] : memref<32x1024xf32, #tpu.memory_space<vmem>> -> memref<16x1024xf32, #tpu.memory_space<vmem>>
    %dma_wait3A_211 = arith.constant 96 : i32
    %dma_wait3A_212 = tpu.memref_slice %arg10[%dma_wait3A_211] : memref<256xi32, #tpu.memory_space<vmem>> -> memref<16xi32, #tpu.memory_space<vmem>>
    %dma_wait3A_213 = arith.constant 0 : i32
    %dma_wait3A_214 = arith.constant 0 : i32
    %dma_wait3A_215 = tpu.memref_slice %arg7[%arg0, %select_n3A_19, %dma_wait3A_213, %dma_wait3A_214] : memref<2x4x144x1024xf32, #tpu.memory_space<hbm>> -> memref<1x1x144x1024xf32, #tpu.memory_space<hbm>>
    %dma_wait3A_216 = tpu.memref_squeeze %dma_wait3A_215 : memref<1x1x144x1024xf32, #tpu.memory_space<hbm>> -> memref<144x1024xf32, #tpu.memory_space<hbm>>
    %dma_wait3A_217 = arith.constant 0 : i32
    %dma_wait3A_218 = arith.constant 0 : i32
    %dma_wait3A_219 = tpu.memref_slice %dma_wait3A_216[%dma_wait3A_217, %dma_wait3A_218] : memref<144x1024xf32, #tpu.memory_space<hbm>> -> memref<144x1024xf32, #tpu.memory_space<hbm>>
    tpu.wait_indirect_dma semaphore(%arg14 : memref<!tpu.dma_semaphore, #tpu.memory_space<semaphore_mem>>) src(%dma_wait3A_219 : memref<144x1024xf32, #tpu.memory_space<hbm>>) dst(%dma_wait3A_210 : memref<16x1024xf32, #tpu.memory_space<vmem>>)
    %dma_wait3A_220 = arith.constant 16 : i32
    %dma_wait3A_221 = arith.constant 0 : i32
    %dma_wait3A_222 = tpu.memref_slice %arg11[%dma_wait3A_220, %dma_wait3A_221] : memref<32x1024xf32, #tpu.memory_space<vmem>> -> memref<16x1024xf32, #tpu.memory_space<vmem>>
    %dma_wait3A_223 = arith.constant 112 : i32
    %dma_wait3A_224 = tpu.memref_slice %arg10[%dma_wait3A_223] : memref<256xi32, #tpu.memory_space<vmem>> -> memref<16xi32, #tpu.memory_space<vmem>>
    %dma_wait3A_225 = arith.constant 0 : i32
    %dma_wait3A_226 = arith.constant 0 : i32
    %dma_wait3A_227 = tpu.memref_slice %arg7[%arg0, %select_n3A_19, %dma_wait3A_225, %dma_wait3A_226] : memref<2x4x144x1024xf32, #tpu.memory_space<hbm>> -> memref<1x1x144x1024xf32, #tpu.memory_space<hbm>>
    %dma_wait3A_228 = tpu.memref_squeeze %dma_wait3A_227 : memref<1x1x144x1024xf32, #tpu.memory_space<hbm>> -> memref<144x1024xf32, #tpu.memory_space<hbm>>
    %dma_wait3A_229 = arith.constant 0 : i32
    %dma_wait3A_230 = arith.constant 0 : i32
    %dma_wait3A_231 = tpu.memref_slice %dma_wait3A_228[%dma_wait3A_229, %dma_wait3A_230] : memref<144x1024xf32, #tpu.memory_space<hbm>> -> memref<144x1024xf32, #tpu.memory_space<hbm>>
    tpu.wait_indirect_dma semaphore(%arg14 : memref<!tpu.dma_semaphore, #tpu.memory_space<semaphore_mem>>) src(%dma_wait3A_231 : memref<144x1024xf32, #tpu.memory_space<hbm>>) dst(%dma_wait3A_222 : memref<16x1024xf32, #tpu.memory_space<vmem>>)
    %add3A_232 = arith.constant 96 : i32
    %add3A_233 = arith.addi %mul3A_2, %add3A_232 : i32
    %dma_start3A_234 = arith.constant 0 : i32
    %dma_start3A_235 = tpu.memref_slice %arg6[%add3A_233, %dma_start3A_234] : memref<8192x1024xf32, #tpu.memory_space<hbm>> -> memref<32x1024xf32, #tpu.memory_space<hbm>>
    %dma_start3A_236 = arith.constant 0 : i32
    %dma_start3A_237 = tpu.memref_slice %arg6[%add3A_233, %dma_start3A_236] : memref<8192x1024xf32, #tpu.memory_space<hbm>> -> memref<32x1024xf32, #tpu.memory_space<hbm>>
    tpu.enqueue_dma source(%arg11 : memref<32x1024xf32, #tpu.memory_space<vmem>>) target(%dma_start3A_237 : memref<32x1024xf32, #tpu.memory_space<hbm>>) target_semaphore(%arg14 : memref<!tpu.dma_semaphore, #tpu.memory_space<semaphore_mem>>)
    %dma_wait3A_238 = arith.constant 0 : i32
    %dma_wait3A_239 = tpu.memref_slice %arg6[%add3A_145, %dma_wait3A_238] : memref<8192x1024xf32, #tpu.memory_space<hbm>> -> memref<32x1024xf32, #tpu.memory_space<hbm>>
    %dma_wait3A_240 = arith.constant 0 : i32
    %dma_wait3A_241 = tpu.memref_slice %arg6[%add3A_145, %dma_wait3A_240] : memref<8192x1024xf32, #tpu.memory_space<hbm>> -> memref<32x1024xf32, #tpu.memory_space<hbm>>
    tpu.wait_dma2 semaphore(%arg15 : memref<!tpu.dma_semaphore, #tpu.memory_space<semaphore_mem>>) src(%arg12 : memref<32x1024xf32, #tpu.memory_space<vmem>>) dst(%dma_wait3A_241 : memref<32x1024xf32, #tpu.memory_space<hbm>>)
    %dma_start3A_242 = arith.constant 0 : i32
    %dma_start3A_243 = arith.constant 0 : i32
    %dma_start3A_244 = tpu.memref_slice %arg12[%dma_start3A_242, %dma_start3A_243] : memref<32x1024xf32, #tpu.memory_space<vmem>> -> memref<16x1024xf32, #tpu.memory_space<vmem>>
    %dma_start3A_245 = arith.constant 128 : i32
    %dma_start3A_246 = tpu.memref_slice %arg10[%dma_start3A_245] : memref<256xi32, #tpu.memory_space<vmem>> -> memref<16xi32, #tpu.memory_space<vmem>>
    %dma_start3A_247 = arith.constant 0 : i32
    %dma_start3A_248 = arith.constant 0 : i32
    %dma_start3A_249 = tpu.memref_slice %arg7[%arg0, %select_n3A_19, %dma_start3A_247, %dma_start3A_248] : memref<2x4x144x1024xf32, #tpu.memory_space<hbm>> -> memref<1x1x144x1024xf32, #tpu.memory_space<hbm>>
    %dma_start3A_250 = tpu.memref_squeeze %dma_start3A_249 : memref<1x1x144x1024xf32, #tpu.memory_space<hbm>> -> memref<144x1024xf32, #tpu.memory_space<hbm>>
    %dma_start3A_251 = arith.constant 0 : i32
    %dma_start3A_252 = arith.constant 0 : i32
    %dma_start3A_253 = tpu.memref_slice %dma_start3A_250[%dma_start3A_251, %dma_start3A_252] : memref<144x1024xf32, #tpu.memory_space<hbm>> -> memref<144x1024xf32, #tpu.memory_space<hbm>>
    tpu.enqueue_indirect_dma source(%dma_start3A_253 : memref<144x1024xf32, #tpu.memory_space<hbm>>) target(%dma_start3A_244 : memref<16x1024xf32, #tpu.memory_space<vmem>>) offsets(%dma_start3A_246 : memref<16xi32, #tpu.memory_space<vmem>>) semaphore(%arg15 : memref<!tpu.dma_semaphore, #tpu.memory_space<semaphore_mem>>)
    %dma_start3A_254 = arith.constant 16 : i32
    %dma_start3A_255 = arith.constant 0 : i32
    %dma_start3A_256 = tpu.memref_slice %arg12[%dma_start3A_254, %dma_start3A_255] : memref<32x1024xf32, #tpu.memory_space<vmem>> -> memref<16x1024xf32, #tpu.memory_space<vmem>>
    %dma_start3A_257 = arith.constant 144 : i32
    %dma_start3A_258 = tpu.memref_slice %arg10[%dma_start3A_257] : memref<256xi32, #tpu.memory_space<vmem>> -> memref<16xi32, #tpu.memory_space<vmem>>
    %dma_start3A_259 = arith.constant 0 : i32
    %dma_start3A_260 = arith.constant 0 : i32
    %dma_start3A_261 = tpu.memref_slice %arg7[%arg0, %select_n3A_19, %dma_start3A_259, %dma_start3A_260] : memref<2x4x144x1024xf32, #tpu.memory_space<hbm>> -> memref<1x1x144x1024xf32, #tpu.memory_space<hbm>>
    %dma_start3A_262 = tpu.memref_squeeze %dma_start3A_261 : memref<1x1x144x1024xf32, #tpu.memory_space<hbm>> -> memref<144x1024xf32, #tpu.memory_space<hbm>>
    %dma_start3A_263 = arith.constant 0 : i32
    %dma_start3A_264 = arith.constant 0 : i32
    %dma_start3A_265 = tpu.memref_slice %dma_start3A_262[%dma_start3A_263, %dma_start3A_264] : memref<144x1024xf32, #tpu.memory_space<hbm>> -> memref<144x1024xf32, #tpu.memory_space<hbm>>
    tpu.enqueue_indirect_dma source(%dma_start3A_265 : memref<144x1024xf32, #tpu.memory_space<hbm>>) target(%dma_start3A_256 : memref<16x1024xf32, #tpu.memory_space<vmem>>) offsets(%dma_start3A_258 : memref<16xi32, #tpu.memory_space<vmem>>) semaphore(%arg15 : memref<!tpu.dma_semaphore, #tpu.memory_space<semaphore_mem>>)
    %dma_wait3A_266 = arith.constant 0 : i32
    %dma_wait3A_267 = arith.constant 0 : i32
    %dma_wait3A_268 = tpu.memref_slice %arg12[%dma_wait3A_266, %dma_wait3A_267] : memref<32x1024xf32, #tpu.memory_space<vmem>> -> memref<16x1024xf32, #tpu.memory_space<vmem>>
    %dma_wait3A_269 = arith.constant 128 : i32
    %dma_wait3A_270 = tpu.memref_slice %arg10[%dma_wait3A_269] : memref<256xi32, #tpu.memory_space<vmem>> -> memref<16xi32, #tpu.memory_space<vmem>>
    %dma_wait3A_271 = arith.constant 0 : i32
    %dma_wait3A_272 = arith.constant 0 : i32
    %dma_wait3A_273 = tpu.memref_slice %arg7[%arg0, %select_n3A_19, %dma_wait3A_271, %dma_wait3A_272] : memref<2x4x144x1024xf32, #tpu.memory_space<hbm>> -> memref<1x1x144x1024xf32, #tpu.memory_space<hbm>>
    %dma_wait3A_274 = tpu.memref_squeeze %dma_wait3A_273 : memref<1x1x144x1024xf32, #tpu.memory_space<hbm>> -> memref<144x1024xf32, #tpu.memory_space<hbm>>
    %dma_wait3A_275 = arith.constant 0 : i32
    %dma_wait3A_276 = arith.constant 0 : i32
    %dma_wait3A_277 = tpu.memref_slice %dma_wait3A_274[%dma_wait3A_275, %dma_wait3A_276] : memref<144x1024xf32, #tpu.memory_space<hbm>> -> memref<144x1024xf32, #tpu.memory_space<hbm>>
    tpu.wait_indirect_dma semaphore(%arg15 : memref<!tpu.dma_semaphore, #tpu.memory_space<semaphore_mem>>) src(%dma_wait3A_277 : memref<144x1024xf32, #tpu.memory_space<hbm>>) dst(%dma_wait3A_268 : memref<16x1024xf32, #tpu.memory_space<vmem>>)
    %dma_wait3A_278 = arith.constant 16 : i32
    %dma_wait3A_279 = arith.constant 0 : i32
    %dma_wait3A_280 = tpu.memref_slice %arg12[%dma_wait3A_278, %dma_wait3A_279] : memref<32x1024xf32, #tpu.memory_space<vmem>> -> memref<16x1024xf32, #tpu.memory_space<vmem>>
    %dma_wait3A_281 = arith.constant 144 : i32
    %dma_wait3A_282 = tpu.memref_slice %arg10[%dma_wait3A_281] : memref<256xi32, #tpu.memory_space<vmem>> -> memref<16xi32, #tpu.memory_space<vmem>>
    %dma_wait3A_283 = arith.constant 0 : i32
    %dma_wait3A_284 = arith.constant 0 : i32
    %dma_wait3A_285 = tpu.memref_slice %arg7[%arg0, %select_n3A_19, %dma_wait3A_283, %dma_wait3A_284] : memref<2x4x144x1024xf32, #tpu.memory_space<hbm>> -> memref<1x1x144x1024xf32, #tpu.memory_space<hbm>>
    %dma_wait3A_286 = tpu.memref_squeeze %dma_wait3A_285 : memref<1x1x144x1024xf32, #tpu.memory_space<hbm>> -> memref<144x1024xf32, #tpu.memory_space<hbm>>
    %dma_wait3A_287 = arith.constant 0 : i32
    %dma_wait3A_288 = arith.constant 0 : i32
    %dma_wait3A_289 = tpu.memref_slice %dma_wait3A_286[%dma_wait3A_287, %dma_wait3A_288] : memref<144x1024xf32, #tpu.memory_space<hbm>> -> memref<144x1024xf32, #tpu.memory_space<hbm>>
    tpu.wait_indirect_dma semaphore(%arg15 : memref<!tpu.dma_semaphore, #tpu.memory_space<semaphore_mem>>) src(%dma_wait3A_289 : memref<144x1024xf32, #tpu.memory_space<hbm>>) dst(%dma_wait3A_280 : memref<16x1024xf32, #tpu.memory_space<vmem>>)
    %add3A_290 = arith.constant 128 : i32
    %add3A_291 = arith.addi %mul3A_2, %add3A_290 : i32
    %dma_start3A_292 = arith.constant 0 : i32
    %dma_start3A_293 = tpu.memref_slice %arg6[%add3A_291, %dma_start3A_292] : memref<8192x1024xf32, #tpu.memory_space<hbm>> -> memref<32x1024xf32, #tpu.memory_space<hbm>>
    %dma_start3A_294 = arith.constant 0 : i32
    %dma_start3A_295 = tpu.memref_slice %arg6[%add3A_291, %dma_start3A_294] : memref<8192x1024xf32, #tpu.memory_space<hbm>> -> memref<32x1024xf32, #tpu.memory_space<hbm>>
    tpu.enqueue_dma source(%arg12 : memref<32x1024xf32, #tpu.memory_space<vmem>>) target(%dma_start3A_295 : memref<32x1024xf32, #tpu.memory_space<hbm>>) target_semaphore(%arg15 : memref<!tpu.dma_semaphore, #tpu.memory_space<semaphore_mem>>)
    %dma_wait3A_296 = arith.constant 0 : i32
    %dma_wait3A_297 = tpu.memref_slice %arg6[%add3A_175, %dma_wait3A_296] : memref<8192x1024xf32, #tpu.memory_space<hbm>> -> memref<32x1024xf32, #tpu.memory_space<hbm>>
    %dma_wait3A_298 = arith.constant 0 : i32
    %dma_wait3A_299 = tpu.memref_slice %arg6[%add3A_175, %dma_wait3A_298] : memref<8192x1024xf32, #tpu.memory_space<hbm>> -> memref<32x1024xf32, #tpu.memory_space<hbm>>
    tpu.wait_dma2 semaphore(%arg16 : memref<!tpu.dma_semaphore, #tpu.memory_space<semaphore_mem>>) src(%arg13 : memref<32x1024xf32, #tpu.memory_space<vmem>>) dst(%dma_wait3A_299 : memref<32x1024xf32, #tpu.memory_space<hbm>>)
    %dma_start3A_300 = arith.constant 0 : i32
    %dma_start3A_301 = arith.constant 0 : i32
    %dma_start3A_302 = tpu.memref_slice %arg13[%dma_start3A_300, %dma_start3A_301] : memref<32x1024xf32, #tpu.memory_space<vmem>> -> memref<16x1024xf32, #tpu.memory_space<vmem>>
    %dma_start3A_303 = arith.constant 160 : i32
    %dma_start3A_304 = tpu.memref_slice %arg10[%dma_start3A_303] : memref<256xi32, #tpu.memory_space<vmem>> -> memref<16xi32, #tpu.memory_space<vmem>>
    %dma_start3A_305 = arith.constant 0 : i32
    %dma_start3A_306 = arith.constant 0 : i32
    %dma_start3A_307 = tpu.memref_slice %arg7[%arg0, %select_n3A_19, %dma_start3A_305, %dma_start3A_306] : memref<2x4x144x1024xf32, #tpu.memory_space<hbm>> -> memref<1x1x144x1024xf32, #tpu.memory_space<hbm>>
    %dma_start3A_308 = tpu.memref_squeeze %dma_start3A_307 : memref<1x1x144x1024xf32, #tpu.memory_space<hbm>> -> memref<144x1024xf32, #tpu.memory_space<hbm>>
    %dma_start3A_309 = arith.constant 0 : i32
    %dma_start3A_310 = arith.constant 0 : i32
    %dma_start3A_311 = tpu.memref_slice %dma_start3A_308[%dma_start3A_309, %dma_start3A_310] : memref<144x1024xf32, #tpu.memory_space<hbm>> -> memref<144x1024xf32, #tpu.memory_space<hbm>>
    tpu.enqueue_indirect_dma source(%dma_start3A_311 : memref<144x1024xf32, #tpu.memory_space<hbm>>) target(%dma_start3A_302 : memref<16x1024xf32, #tpu.memory_space<vmem>>) offsets(%dma_start3A_304 : memref<16xi32, #tpu.memory_space<vmem>>) semaphore(%arg16 : memref<!tpu.dma_semaphore, #tpu.memory_space<semaphore_mem>>)
    %dma_start3A_312 = arith.constant 16 : i32
    %dma_start3A_313 = arith.constant 0 : i32
    %dma_start3A_314 = tpu.memref_slice %arg13[%dma_start3A_312, %dma_start3A_313] : memref<32x1024xf32, #tpu.memory_space<vmem>> -> memref<16x1024xf32, #tpu.memory_space<vmem>>
    %dma_start3A_315 = arith.constant 176 : i32
    %dma_start3A_316 = tpu.memref_slice %arg10[%dma_start3A_315] : memref<256xi32, #tpu.memory_space<vmem>> -> memref<16xi32, #tpu.memory_space<vmem>>
    %dma_start3A_317 = arith.constant 0 : i32
    %dma_start3A_318 = arith.constant 0 : i32
    %dma_start3A_319 = tpu.memref_slice %arg7[%arg0, %select_n3A_19, %dma_start3A_317, %dma_start3A_318] : memref<2x4x144x1024xf32, #tpu.memory_space<hbm>> -> memref<1x1x144x1024xf32, #tpu.memory_space<hbm>>
    %dma_start3A_320 = tpu.memref_squeeze %dma_start3A_319 : memref<1x1x144x1024xf32, #tpu.memory_space<hbm>> -> memref<144x1024xf32, #tpu.memory_space<hbm>>
    %dma_start3A_321 = arith.constant 0 : i32
    %dma_start3A_322 = arith.constant 0 : i32
    %dma_start3A_323 = tpu.memref_slice %dma_start3A_320[%dma_start3A_321, %dma_start3A_322] : memref<144x1024xf32, #tpu.memory_space<hbm>> -> memref<144x1024xf32, #tpu.memory_space<hbm>>
    tpu.enqueue_indirect_dma source(%dma_start3A_323 : memref<144x1024xf32, #tpu.memory_space<hbm>>) target(%dma_start3A_314 : memref<16x1024xf32, #tpu.memory_space<vmem>>) offsets(%dma_start3A_316 : memref<16xi32, #tpu.memory_space<vmem>>) semaphore(%arg16 : memref<!tpu.dma_semaphore, #tpu.memory_space<semaphore_mem>>)
    %dma_wait3A_324 = arith.constant 0 : i32
    %dma_wait3A_325 = arith.constant 0 : i32
    %dma_wait3A_326 = tpu.memref_slice %arg13[%dma_wait3A_324, %dma_wait3A_325] : memref<32x1024xf32, #tpu.memory_space<vmem>> -> memref<16x1024xf32, #tpu.memory_space<vmem>>
    %dma_wait3A_327 = arith.constant 160 : i32
    %dma_wait3A_328 = tpu.memref_slice %arg10[%dma_wait3A_327] : memref<256xi32, #tpu.memory_space<vmem>> -> memref<16xi32, #tpu.memory_space<vmem>>
    %dma_wait3A_329 = arith.constant 0 : i32
    %dma_wait3A_330 = arith.constant 0 : i32
    %dma_wait3A_331 = tpu.memref_slice %arg7[%arg0, %select_n3A_19, %dma_wait3A_329, %dma_wait3A_330] : memref<2x4x144x1024xf32, #tpu.memory_space<hbm>> -> memref<1x1x144x1024xf32, #tpu.memory_space<hbm>>
    %dma_wait3A_332 = tpu.memref_squeeze %dma_wait3A_331 : memref<1x1x144x1024xf32, #tpu.memory_space<hbm>> -> memref<144x1024xf32, #tpu.memory_space<hbm>>
    %dma_wait3A_333 = arith.constant 0 : i32
    %dma_wait3A_334 = arith.constant 0 : i32
    %dma_wait3A_335 = tpu.memref_slice %dma_wait3A_332[%dma_wait3A_333, %dma_wait3A_334] : memref<144x1024xf32, #tpu.memory_space<hbm>> -> memref<144x1024xf32, #tpu.memory_space<hbm>>
    tpu.wait_indirect_dma semaphore(%arg16 : memref<!tpu.dma_semaphore, #tpu.memory_space<semaphore_mem>>) src(%dma_wait3A_335 : memref<144x1024xf32, #tpu.memory_space<hbm>>) dst(%dma_wait3A_326 : memref<16x1024xf32, #tpu.memory_space<vmem>>)
    %dma_wait3A_336 = arith.constant 16 : i32
    %dma_wait3A_337 = arith.constant 0 : i32
    %dma_wait3A_338 = tpu.memref_slice %arg13[%dma_wait3A_336, %dma_wait3A_337] : memref<32x1024xf32, #tpu.memory_space<vmem>> -> memref<16x1024xf32, #tpu.memory_space<vmem>>
    %dma_wait3A_339 = arith.constant 176 : i32
    %dma_wait3A_340 = tpu.memref_slice %arg10[%dma_wait3A_339] : memref<256xi32, #tpu.memory_space<vmem>> -> memref<16xi32, #tpu.memory_space<vmem>>
    %dma_wait3A_341 = arith.constant 0 : i32
    %dma_wait3A_342 = arith.constant 0 : i32
    %dma_wait3A_343 = tpu.memref_slice %arg7[%arg0, %select_n3A_19, %dma_wait3A_341, %dma_wait3A_342] : memref<2x4x144x1024xf32, #tpu.memory_space<hbm>> -> memref<1x1x144x1024xf32, #tpu.memory_space<hbm>>
    %dma_wait3A_344 = tpu.memref_squeeze %dma_wait3A_343 : memref<1x1x144x1024xf32, #tpu.memory_space<hbm>> -> memref<144x1024xf32, #tpu.memory_space<hbm>>
    %dma_wait3A_345 = arith.constant 0 : i32
    %dma_wait3A_346 = arith.constant 0 : i32
    %dma_wait3A_347 = tpu.memref_slice %dma_wait3A_344[%dma_wait3A_345, %dma_wait3A_346] : memref<144x1024xf32, #tpu.memory_space<hbm>> -> memref<144x1024xf32, #tpu.memory_space<hbm>>
    tpu.wait_indirect_dma semaphore(%arg16 : memref<!tpu.dma_semaphore, #tpu.memory_space<semaphore_mem>>) src(%dma_wait3A_347 : memref<144x1024xf32, #tpu.memory_space<hbm>>) dst(%dma_wait3A_338 : memref<16x1024xf32, #tpu.memory_space<vmem>>)
    %add3A_348 = arith.constant 160 : i32
    %add3A_349 = arith.addi %mul3A_2, %add3A_348 : i32
    %dma_start3A_350 = arith.constant 0 : i32
    %dma_start3A_351 = tpu.memref_slice %arg6[%add3A_349, %dma_start3A_350] : memref<8192x1024xf32, #tpu.memory_space<hbm>> -> memref<32x1024xf32, #tpu.memory_space<hbm>>
    %dma_start3A_352 = arith.constant 0 : i32
    %dma_start3A_353 = tpu.memref_slice %arg6[%add3A_349, %dma_start3A_352] : memref<8192x1024xf32, #tpu.memory_space<hbm>> -> memref<32x1024xf32, #tpu.memory_space<hbm>>
    tpu.enqueue_dma source(%arg13 : memref<32x1024xf32, #tpu.memory_space<vmem>>) target(%dma_start3A_353 : memref<32x1024xf32, #tpu.memory_space<hbm>>) target_semaphore(%arg16 : memref<!tpu.dma_semaphore, #tpu.memory_space<semaphore_mem>>)
    %dma_wait3A_354 = arith.constant 0 : i32
    %dma_wait3A_355 = tpu.memref_slice %arg6[%add3A_233, %dma_wait3A_354] : memref<8192x1024xf32, #tpu.memory_space<hbm>> -> memref<32x1024xf32, #tpu.memory_space<hbm>>
    %dma_wait3A_356 = arith.constant 0 : i32
    %dma_wait3A_357 = tpu.memref_slice %arg6[%add3A_233, %dma_wait3A_356] : memref<8192x1024xf32, #tpu.memory_space<hbm>> -> memref<32x1024xf32, #tpu.memory_space<hbm>>
    tpu.wait_dma2 semaphore(%arg14 : memref<!tpu.dma_semaphore, #tpu.memory_space<semaphore_mem>>) src(%arg11 : memref<32x1024xf32, #tpu.memory_space<vmem>>) dst(%dma_wait3A_357 : memref<32x1024xf32, #tpu.memory_space<hbm>>)
    %dma_start3A_358 = arith.constant 0 : i32
    %dma_start3A_359 = arith.constant 0 : i32
    %dma_start3A_360 = tpu.memref_slice %arg11[%dma_start3A_358, %dma_start3A_359] : memref<32x1024xf32, #tpu.memory_space<vmem>> -> memref<16x1024xf32, #tpu.memory_space<vmem>>
    %dma_start3A_361 = arith.constant 192 : i32
    %dma_start3A_362 = tpu.memref_slice %arg10[%dma_start3A_361] : memref<256xi32, #tpu.memory_space<vmem>> -> memref<16xi32, #tpu.memory_space<vmem>>
    %dma_start3A_363 = arith.constant 0 : i32
    %dma_start3A_364 = arith.constant 0 : i32
    %dma_start3A_365 = tpu.memref_slice %arg7[%arg0, %select_n3A_19, %dma_start3A_363, %dma_start3A_364] : memref<2x4x144x1024xf32, #tpu.memory_space<hbm>> -> memref<1x1x144x1024xf32, #tpu.memory_space<hbm>>
    %dma_start3A_366 = tpu.memref_squeeze %dma_start3A_365 : memref<1x1x144x1024xf32, #tpu.memory_space<hbm>> -> memref<144x1024xf32, #tpu.memory_space<hbm>>
    %dma_start3A_367 = arith.constant 0 : i32
    %dma_start3A_368 = arith.constant 0 : i32
    %dma_start3A_369 = tpu.memref_slice %dma_start3A_366[%dma_start3A_367, %dma_start3A_368] : memref<144x1024xf32, #tpu.memory_space<hbm>> -> memref<144x1024xf32, #tpu.memory_space<hbm>>
    tpu.enqueue_indirect_dma source(%dma_start3A_369 : memref<144x1024xf32, #tpu.memory_space<hbm>>) target(%dma_start3A_360 : memref<16x1024xf32, #tpu.memory_space<vmem>>) offsets(%dma_start3A_362 : memref<16xi32, #tpu.memory_space<vmem>>) semaphore(%arg14 : memref<!tpu.dma_semaphore, #tpu.memory_space<semaphore_mem>>)
    %dma_start3A_370 = arith.constant 16 : i32
    %dma_start3A_371 = arith.constant 0 : i32
    %dma_start3A_372 = tpu.memref_slice %arg11[%dma_start3A_370, %dma_start3A_371] : memref<32x1024xf32, #tpu.memory_space<vmem>> -> memref<16x1024xf32, #tpu.memory_space<vmem>>
    %dma_start3A_373 = arith.constant 208 : i32
    %dma_start3A_374 = tpu.memref_slice %arg10[%dma_start3A_373] : memref<256xi32, #tpu.memory_space<vmem>> -> memref<16xi32, #tpu.memory_space<vmem>>
    %dma_start3A_375 = arith.constant 0 : i32
    %dma_start3A_376 = arith.constant 0 : i32
    %dma_start3A_377 = tpu.memref_slice %arg7[%arg0, %select_n3A_19, %dma_start3A_375, %dma_start3A_376] : memref<2x4x144x1024xf32, #tpu.memory_space<hbm>> -> memref<1x1x144x1024xf32, #tpu.memory_space<hbm>>
    %dma_start3A_378 = tpu.memref_squeeze %dma_start3A_377 : memref<1x1x144x1024xf32, #tpu.memory_space<hbm>> -> memref<144x1024xf32, #tpu.memory_space<hbm>>
    %dma_start3A_379 = arith.constant 0 : i32
    %dma_start3A_380 = arith.constant 0 : i32
    %dma_start3A_381 = tpu.memref_slice %dma_start3A_378[%dma_start3A_379, %dma_start3A_380] : memref<144x1024xf32, #tpu.memory_space<hbm>> -> memref<144x1024xf32, #tpu.memory_space<hbm>>
    tpu.enqueue_indirect_dma source(%dma_start3A_381 : memref<144x1024xf32, #tpu.memory_space<hbm>>) target(%dma_start3A_372 : memref<16x1024xf32, #tpu.memory_space<vmem>>) offsets(%dma_start3A_374 : memref<16xi32, #tpu.memory_space<vmem>>) semaphore(%arg14 : memref<!tpu.dma_semaphore, #tpu.memory_space<semaphore_mem>>)
    %dma_wait3A_382 = arith.constant 0 : i32
    %dma_wait3A_383 = arith.constant 0 : i32
    %dma_wait3A_384 = tpu.memref_slice %arg11[%dma_wait3A_382, %dma_wait3A_383] : memref<32x1024xf32, #tpu.memory_space<vmem>> -> memref<16x1024xf32, #tpu.memory_space<vmem>>
    %dma_wait3A_385 = arith.constant 192 : i32
    %dma_wait3A_386 = tpu.memref_slice %arg10[%dma_wait3A_385] : memref<256xi32, #tpu.memory_space<vmem>> -> memref<16xi32, #tpu.memory_space<vmem>>
    %dma_wait3A_387 = arith.constant 0 : i32
    %dma_wait3A_388 = arith.constant 0 : i32
    %dma_wait3A_389 = tpu.memref_slice %arg7[%arg0, %select_n3A_19, %dma_wait3A_387, %dma_wait3A_388] : memref<2x4x144x1024xf32, #tpu.memory_space<hbm>> -> memref<1x1x144x1024xf32, #tpu.memory_space<hbm>>
    %dma_wait3A_390 = tpu.memref_squeeze %dma_wait3A_389 : memref<1x1x144x1024xf32, #tpu.memory_space<hbm>> -> memref<144x1024xf32, #tpu.memory_space<hbm>>
    %dma_wait3A_391 = arith.constant 0 : i32
    %dma_wait3A_392 = arith.constant 0 : i32
    %dma_wait3A_393 = tpu.memref_slice %dma_wait3A_390[%dma_wait3A_391, %dma_wait3A_392] : memref<144x1024xf32, #tpu.memory_space<hbm>> -> memref<144x1024xf32, #tpu.memory_space<hbm>>
    tpu.wait_indirect_dma semaphore(%arg14 : memref<!tpu.dma_semaphore, #tpu.memory_space<semaphore_mem>>) src(%dma_wait3A_393 : memref<144x1024xf32, #tpu.memory_space<hbm>>) dst(%dma_wait3A_384 : memref<16x1024xf32, #tpu.memory_space<vmem>>)
    %dma_wait3A_394 = arith.constant 16 : i32
    %dma_wait3A_395 = arith.constant 0 : i32
    %dma_wait3A_396 = tpu.memref_slice %arg11[%dma_wait3A_394, %dma_wait3A_395] : memref<32x1024xf32, #tpu.memory_space<vmem>> -> memref<16x1024xf32, #tpu.memory_space<vmem>>
    %dma_wait3A_397 = arith.constant 208 : i32
    %dma_wait3A_398 = tpu.memref_slice %arg10[%dma_wait3A_397] : memref<256xi32, #tpu.memory_space<vmem>> -> memref<16xi32, #tpu.memory_space<vmem>>
    %dma_wait3A_399 = arith.constant 0 : i32
    %dma_wait3A_400 = arith.constant 0 : i32
    %dma_wait3A_401 = tpu.memref_slice %arg7[%arg0, %select_n3A_19, %dma_wait3A_399, %dma_wait3A_400] : memref<2x4x144x1024xf32, #tpu.memory_space<hbm>> -> memref<1x1x144x1024xf32, #tpu.memory_space<hbm>>
    %dma_wait3A_402 = tpu.memref_squeeze %dma_wait3A_401 : memref<1x1x144x1024xf32, #tpu.memory_space<hbm>> -> memref<144x1024xf32, #tpu.memory_space<hbm>>
    %dma_wait3A_403 = arith.constant 0 : i32
    %dma_wait3A_404 = arith.constant 0 : i32
    %dma_wait3A_405 = tpu.memref_slice %dma_wait3A_402[%dma_wait3A_403, %dma_wait3A_404] : memref<144x1024xf32, #tpu.memory_space<hbm>> -> memref<144x1024xf32, #tpu.memory_space<hbm>>
    tpu.wait_indirect_dma semaphore(%arg14 : memref<!tpu.dma_semaphore, #tpu.memory_space<semaphore_mem>>) src(%dma_wait3A_405 : memref<144x1024xf32, #tpu.memory_space<hbm>>) dst(%dma_wait3A_396 : memref<16x1024xf32, #tpu.memory_space<vmem>>)
    %add3A_406 = arith.constant 192 : i32
    %add3A_407 = arith.addi %mul3A_2, %add3A_406 : i32
    %dma_start3A_408 = arith.constant 0 : i32
    %dma_start3A_409 = tpu.memref_slice %arg6[%add3A_407, %dma_start3A_408] : memref<8192x1024xf32, #tpu.memory_space<hbm>> -> memref<32x1024xf32, #tpu.memory_space<hbm>>
    %dma_start3A_410 = arith.constant 0 : i32
    %dma_start3A_411 = tpu.memref_slice %arg6[%add3A_407, %dma_start3A_410] : memref<8192x1024xf32, #tpu.memory_space<hbm>> -> memref<32x1024xf32, #tpu.memory_space<hbm>>
    tpu.enqueue_dma source(%arg11 : memref<32x1024xf32, #tpu.memory_space<vmem>>) target(%dma_start3A_411 : memref<32x1024xf32, #tpu.memory_space<hbm>>) target_semaphore(%arg14 : memref<!tpu.dma_semaphore, #tpu.memory_space<semaphore_mem>>)
    %dma_wait3A_412 = arith.constant 0 : i32
    %dma_wait3A_413 = tpu.memref_slice %arg6[%add3A_291, %dma_wait3A_412] : memref<8192x1024xf32, #tpu.memory_space<hbm>> -> memref<32x1024xf32, #tpu.memory_space<hbm>>
    %dma_wait3A_414 = arith.constant 0 : i32
    %dma_wait3A_415 = tpu.memref_slice %arg6[%add3A_291, %dma_wait3A_414] : memref<8192x1024xf32, #tpu.memory_space<hbm>> -> memref<32x1024xf32, #tpu.memory_space<hbm>>
    tpu.wait_dma2 semaphore(%arg15 : memref<!tpu.dma_semaphore, #tpu.memory_space<semaphore_mem>>) src(%arg12 : memref<32x1024xf32, #tpu.memory_space<vmem>>) dst(%dma_wait3A_415 : memref<32x1024xf32, #tpu.memory_space<hbm>>)
    %dma_start3A_416 = arith.constant 0 : i32
    %dma_start3A_417 = arith.constant 0 : i32
    %dma_start3A_418 = tpu.memref_slice %arg12[%dma_start3A_416, %dma_start3A_417] : memref<32x1024xf32, #tpu.memory_space<vmem>> -> memref<16x1024xf32, #tpu.memory_space<vmem>>
    %dma_start3A_419 = arith.constant 224 : i32
    %dma_start3A_420 = tpu.memref_slice %arg10[%dma_start3A_419] : memref<256xi32, #tpu.memory_space<vmem>> -> memref<16xi32, #tpu.memory_space<vmem>>
    %dma_start3A_421 = arith.constant 0 : i32
    %dma_start3A_422 = arith.constant 0 : i32
    %dma_start3A_423 = tpu.memref_slice %arg7[%arg0, %select_n3A_19, %dma_start3A_421, %dma_start3A_422] : memref<2x4x144x1024xf32, #tpu.memory_space<hbm>> -> memref<1x1x144x1024xf32, #tpu.memory_space<hbm>>
    %dma_start3A_424 = tpu.memref_squeeze %dma_start3A_423 : memref<1x1x144x1024xf32, #tpu.memory_space<hbm>> -> memref<144x1024xf32, #tpu.memory_space<hbm>>
    %dma_start3A_425 = arith.constant 0 : i32
    %dma_start3A_426 = arith.constant 0 : i32
    %dma_start3A_427 = tpu.memref_slice %dma_start3A_424[%dma_start3A_425, %dma_start3A_426] : memref<144x1024xf32, #tpu.memory_space<hbm>> -> memref<144x1024xf32, #tpu.memory_space<hbm>>
    tpu.enqueue_indirect_dma source(%dma_start3A_427 : memref<144x1024xf32, #tpu.memory_space<hbm>>) target(%dma_start3A_418 : memref<16x1024xf32, #tpu.memory_space<vmem>>) offsets(%dma_start3A_420 : memref<16xi32, #tpu.memory_space<vmem>>) semaphore(%arg15 : memref<!tpu.dma_semaphore, #tpu.memory_space<semaphore_mem>>)
    %dma_start3A_428 = arith.constant 16 : i32
    %dma_start3A_429 = arith.constant 0 : i32
    %dma_start3A_430 = tpu.memref_slice %arg12[%dma_start3A_428, %dma_start3A_429] : memref<32x1024xf32, #tpu.memory_space<vmem>> -> memref<16x1024xf32, #tpu.memory_space<vmem>>
    %dma_start3A_431 = arith.constant 240 : i32
    %dma_start3A_432 = tpu.memref_slice %arg10[%dma_start3A_431] : memref<256xi32, #tpu.memory_space<vmem>> -> memref<16xi32, #tpu.memory_space<vmem>>
    %dma_start3A_433 = arith.constant 0 : i32
    %dma_start3A_434 = arith.constant 0 : i32
    %dma_start3A_435 = tpu.memref_slice %arg7[%arg0, %select_n3A_19, %dma_start3A_433, %dma_start3A_434] : memref<2x4x144x1024xf32, #tpu.memory_space<hbm>> -> memref<1x1x144x1024xf32, #tpu.memory_space<hbm>>
    %dma_start3A_436 = tpu.memref_squeeze %dma_start3A_435 : memref<1x1x144x1024xf32, #tpu.memory_space<hbm>> -> memref<144x1024xf32, #tpu.memory_space<hbm>>
    %dma_start3A_437 = arith.constant 0 : i32
    %dma_start3A_438 = arith.constant 0 : i32
    %dma_start3A_439 = tpu.memref_slice %dma_start3A_436[%dma_start3A_437, %dma_start3A_438] : memref<144x1024xf32, #tpu.memory_space<hbm>> -> memref<144x1024xf32, #tpu.memory_space<hbm>>
    tpu.enqueue_indirect_dma source(%dma_start3A_439 : memref<144x1024xf32, #tpu.memory_space<hbm>>) target(%dma_start3A_430 : memref<16x1024xf32, #tpu.memory_space<vmem>>) offsets(%dma_start3A_432 : memref<16xi32, #tpu.memory_space<vmem>>) semaphore(%arg15 : memref<!tpu.dma_semaphore, #tpu.memory_space<semaphore_mem>>)
    %dma_wait3A_440 = arith.constant 0 : i32
    %dma_wait3A_441 = arith.constant 0 : i32
    %dma_wait3A_442 = tpu.memref_slice %arg12[%dma_wait3A_440, %dma_wait3A_441] : memref<32x1024xf32, #tpu.memory_space<vmem>> -> memref<16x1024xf32, #tpu.memory_space<vmem>>
    %dma_wait3A_443 = arith.constant 224 : i32
    %dma_wait3A_444 = tpu.memref_slice %arg10[%dma_wait3A_443] : memref<256xi32, #tpu.memory_space<vmem>> -> memref<16xi32, #tpu.memory_space<vmem>>
    %dma_wait3A_445 = arith.constant 0 : i32
    %dma_wait3A_446 = arith.constant 0 : i32
    %dma_wait3A_447 = tpu.memref_slice %arg7[%arg0, %select_n3A_19, %dma_wait3A_445, %dma_wait3A_446] : memref<2x4x144x1024xf32, #tpu.memory_space<hbm>> -> memref<1x1x144x1024xf32, #tpu.memory_space<hbm>>
    %dma_wait3A_448 = tpu.memref_squeeze %dma_wait3A_447 : memref<1x1x144x1024xf32, #tpu.memory_space<hbm>> -> memref<144x1024xf32, #tpu.memory_space<hbm>>
    %dma_wait3A_449 = arith.constant 0 : i32
    %dma_wait3A_450 = arith.constant 0 : i32
    %dma_wait3A_451 = tpu.memref_slice %dma_wait3A_448[%dma_wait3A_449, %dma_wait3A_450] : memref<144x1024xf32, #tpu.memory_space<hbm>> -> memref<144x1024xf32, #tpu.memory_space<hbm>>
    tpu.wait_indirect_dma semaphore(%arg15 : memref<!tpu.dma_semaphore, #tpu.memory_space<semaphore_mem>>) src(%dma_wait3A_451 : memref<144x1024xf32, #tpu.memory_space<hbm>>) dst(%dma_wait3A_442 : memref<16x1024xf32, #tpu.memory_space<vmem>>)
    %dma_wait3A_452 = arith.constant 16 : i32
    %dma_wait3A_453 = arith.constant 0 : i32
    %dma_wait3A_454 = tpu.memref_slice %arg12[%dma_wait3A_452, %dma_wait3A_453] : memref<32x1024xf32, #tpu.memory_space<vmem>> -> memref<16x1024xf32, #tpu.memory_space<vmem>>
    %dma_wait3A_455 = arith.constant 240 : i32
    %dma_wait3A_456 = tpu.memref_slice %arg10[%dma_wait3A_455] : memref<256xi32, #tpu.memory_space<vmem>> -> memref<16xi32, #tpu.memory_space<vmem>>
    %dma_wait3A_457 = arith.constant 0 : i32
    %dma_wait3A_458 = arith.constant 0 : i32
    %dma_wait3A_459 = tpu.memref_slice %arg7[%arg0, %select_n3A_19, %dma_wait3A_457, %dma_wait3A_458] : memref<2x4x144x1024xf32, #tpu.memory_space<hbm>> -> memref<1x1x144x1024xf32, #tpu.memory_space<hbm>>
    %dma_wait3A_460 = tpu.memref_squeeze %dma_wait3A_459 : memref<1x1x144x1024xf32, #tpu.memory_space<hbm>> -> memref<144x1024xf32, #tpu.memory_space<hbm>>
    %dma_wait3A_461 = arith.constant 0 : i32
    %dma_wait3A_462 = arith.constant 0 : i32
    %dma_wait3A_463 = tpu.memref_slice %dma_wait3A_460[%dma_wait3A_461, %dma_wait3A_462] : memref<144x1024xf32, #tpu.memory_space<hbm>> -> memref<144x1024xf32, #tpu.memory_space<hbm>>
    tpu.wait_indirect_dma semaphore(%arg15 : memref<!tpu.dma_semaphore, #tpu.memory_space<semaphore_mem>>) src(%dma_wait3A_463 : memref<144x1024xf32, #tpu.memory_space<hbm>>) dst(%dma_wait3A_454 : memref<16x1024xf32, #tpu.memory_space<vmem>>)
    %add3A_464 = arith.constant 224 : i32
    %add3A_465 = arith.addi %mul3A_2, %add3A_464 : i32
    %dma_start3A_466 = arith.constant 0 : i32
    %dma_start3A_467 = tpu.memref_slice %arg6[%add3A_465, %dma_start3A_466] : memref<8192x1024xf32, #tpu.memory_space<hbm>> -> memref<32x1024xf32, #tpu.memory_space<hbm>>
    %dma_start3A_468 = arith.constant 0 : i32
    %dma_start3A_469 = tpu.memref_slice %arg6[%add3A_465, %dma_start3A_468] : memref<8192x1024xf32, #tpu.memory_space<hbm>> -> memref<32x1024xf32, #tpu.memory_space<hbm>>
    tpu.enqueue_dma source(%arg12 : memref<32x1024xf32, #tpu.memory_space<vmem>>) target(%dma_start3A_469 : memref<32x1024xf32, #tpu.memory_space<hbm>>) target_semaphore(%arg15 : memref<!tpu.dma_semaphore, #tpu.memory_space<semaphore_mem>>)
    %dma_wait3A_470 = arith.constant 0 : i32
    %dma_wait3A_471 = tpu.memref_slice %arg6[%add3A_349, %dma_wait3A_470] : memref<8192x1024xf32, #tpu.memory_space<hbm>> -> memref<32x1024xf32, #tpu.memory_space<hbm>>
    %dma_wait3A_472 = arith.constant 0 : i32
    %dma_wait3A_473 = tpu.memref_slice %arg6[%add3A_349, %dma_wait3A_472] : memref<8192x1024xf32, #tpu.memory_space<hbm>> -> memref<32x1024xf32, #tpu.memory_space<hbm>>
    tpu.wait_dma2 semaphore(%arg16 : memref<!tpu.dma_semaphore, #tpu.memory_space<semaphore_mem>>) src(%arg13 : memref<32x1024xf32, #tpu.memory_space<vmem>>) dst(%dma_wait3A_473 : memref<32x1024xf32, #tpu.memory_space<hbm>>)
    %dma_wait3A_474 = arith.constant 0 : i32
    %dma_wait3A_475 = tpu.memref_slice %arg6[%add3A_407, %dma_wait3A_474] : memref<8192x1024xf32, #tpu.memory_space<hbm>> -> memref<32x1024xf32, #tpu.memory_space<hbm>>
    %dma_wait3A_476 = arith.constant 0 : i32
    %dma_wait3A_477 = tpu.memref_slice %arg6[%add3A_407, %dma_wait3A_476] : memref<8192x1024xf32, #tpu.memory_space<hbm>> -> memref<32x1024xf32, #tpu.memory_space<hbm>>
    tpu.wait_dma2 semaphore(%arg14 : memref<!tpu.dma_semaphore, #tpu.memory_space<semaphore_mem>>) src(%arg11 : memref<32x1024xf32, #tpu.memory_space<vmem>>) dst(%dma_wait3A_477 : memref<32x1024xf32, #tpu.memory_space<hbm>>)
    %dma_wait3A_478 = arith.constant 0 : i32
    %dma_wait3A_479 = tpu.memref_slice %arg6[%add3A_465, %dma_wait3A_478] : memref<8192x1024xf32, #tpu.memory_space<hbm>> -> memref<32x1024xf32, #tpu.memory_space<hbm>>
    %dma_wait3A_480 = arith.constant 0 : i32
    %dma_wait3A_481 = tpu.memref_slice %arg6[%add3A_465, %dma_wait3A_480] : memref<8192x1024xf32, #tpu.memory_space<hbm>> -> memref<32x1024xf32, #tpu.memory_space<hbm>>
    tpu.wait_dma2 semaphore(%arg15 : memref<!tpu.dma_semaphore, #tpu.memory_space<semaphore_mem>>) src(%arg12 : memref<32x1024xf32, #tpu.memory_space<vmem>>) dst(%dma_wait3A_481 : memref<32x1024xf32, #tpu.memory_space<hbm>>)
    return
  }
}

</mosaic_0001>

<sc_bundles>
// kernel: _run.3.cloned.1.call-start
scs
__scs_entry_jumppad:
0x0: {  	(pc) =	sbr.rel $0x88, $3  }
0x1: {  	(tag) =	ssettag $0x0;
	lr =	simm.s32 $0x1  }
0x2: {  	[smem:$0x3F9D] =	sst lr;
	_ =	strace $0xD0000000  }
0x3: {  	_ = 	snop  }
0x4: {  	_ = 	snop  }
0x5: {  	_ = 	snop  }
0x6: {  	_ = 	snop  }
0x7: {  	_ = 	snop  }
__scs_overlays_trampoline_lowered:
0x8: {  	[smem:$0x3FAC] =	sst s0  }
0x9: {  	[smem:$0x3FAD] =	sst s1  }
0xa: {  	[smem:$0x3FAE] =	sst s2  }
0xb: {  	[smem:$0x3FAF] =	sst s3  }
0xc: {  	[smem:$0x3FB0] =	sst s4  }
0xd: {  	[smem:$0x3FB1] =	sst s5  }
0xe: {  	[smem:$0x3FB2] =	sst s6  }
0xf: {  	[smem:$0x3FB3] =	sst s7  }
0x10: {  	[smem:$0x3FB4] =	sst s8  }
0x11: {  	[smem:$0x3FB5] =	sst s9;
	s0 =	simm.s32 @!p0 $0x0  }
0x12: {  	s1 =	sld [smem:$0x3F9B];
	s0 =	simm.s32 @p0 $0x1  }
0x13: {  	[smem:$0x3FB6] =	sst s0;
	s0 =	simm.s32 @!p1 $0x0  }
0x14: {  	s2 =	sld [smem:$0x3F9A];
	s0 =	simm.s32 @p1 $0x1  }
0x15: {  	[smem:$0x3FB7] =	sst s0;
	s0 =	simm.s32 @!p2 $0x0  }
0x16: {  	s3 =	sld [smem:$0x3FDB];
	s0 =	simm.s32 @p2 $0x1  }
0x17: {  	s4 =	simm.s32 $0x1BF5;
	[smem:$0x3FB9] =	sst s0  }
0x18: {  	s0 =	sld [smem:$0x3F9C];
	_ =	swait.ge [sflag:s4], $0x0  }
0x19: {  	s7 =	sld [smem:$0x3F9D]  }
0x1a: {  	s8 =	sadd.s32 $0xFFFFE003, lr  }
0x1b: {  	s9 =	sadd.s32 $0xFFFFFEF7, lr;
	s5 =	simm.s32 $0xFFFFFFFF;
	p2 =	slt.u32 s8, $0xFFFFF086  }
0x1c: {  	p1 =	slt.u32 s9, $0xF7A;
	s5 =	simm.s32 @!p2 $0x0  }
0x1d: {  	s5 =	simm.s32 @p1 $0x1;
	p0 =	seq.s32 s7, s2  }
0x1e: {  	s7 =	smul.u32 @!p0 $0xF7A, s2;
	p2 =	seq.s32 @!p0 s5, $0x0  }
0x1f: {  	s9 =	smul.u32 $0xF7A, s1;
	s8 =	simm.s32 @!p0 $0x1BF5;
	p2 =	por !p2, p0  }
0x20: {  	[sflag:s8] =	ssyncset.s32 @!p0 $0xFFFFF086;
	s6 =	sadd.s32 @!p0 s3, s7;
	s7 =	simm.s32 @!p0 $0x108  }
0x21: {  	s3 =	sadd.s32 s3, s9;
	s6 =	sadd.s32 @!p0 $0x88, s6;
	s7 =	simm.s32 @p2 $0x1082  }
0x22: {  	[simem:s7], [sflag:s8] =	dma.local @!p0 [hbm:s6], $0xF7A  }
0x23: {  	s9 =	sor.u32 $0xD0000000, s2;
	s6 =	simm.s32 $0x108;
	_ =	swait.ge @!p0 [sflag:s8], $0x0  }
0x24: {  	s3 =	sadd.s32 $0x88, s3;
	s6 =	simm.s32 @!p1 $0x1082;
	[sflag:s4] =	ssyncset.s32 $0xFFFFF086  }
0x25: {  	[simem:s6], [sflag:s4] =	dma.local [hbm:s3], $0xF7A  }
0x26: {  	[smem:$0x3F9D] =	sst s1;
	(tag) =	ssettag s2;
	_ =	strace s9  }
0x27: {  	s1 =	sld [smem:$0x3FAD]  }
0x28: {  	s2 =	sld [smem:$0x3FAE]  }
0x29: {  	s4 =	sld [smem:$0x3FB0]  }
0x2a: {  	p0 =	seq.s32 s5, $0x0;
	s5 =	sld [smem:$0x3FB1]  }
0x2b: {  	s6 =	sld [smem:$0x3FB2]  }
0x2c: {  	s7 =	sld [smem:$0x3FB3]  }
0x2d: {  	s3 =	simm.s32 $0x108;
	s8 =	sld [smem:$0x3FB4]  }
0x2e: {  	s3 =	simm.s32 @!p0 $0x1082;
	s9 =	sld [smem:$0x3FB5]  }
0x2f: {  	lr =	sadd.s32 s0, s3;
	s0 =	sld [smem:$0x3FAC]  }
0x30: {  	s3 =	sld [smem:$0x3FAF]  }
0x31: {  	[smem:$0x3FB8] =	sst s10  }
0x32: {  	s10 =	sld [smem:$0x3FB6];
	_ =	sdelay $0x3  }
0x33: {  	p0 =	seq.s32 s10, $0x1;
	s10 =	sld [smem:$0x3FB8];
	_ =	sdelay $0x3  }
0x34: {  	[smem:$0x3FB8] =	sst s10  }
0x35: {  	s10 =	sld [smem:$0x3FB7];
	_ =	sdelay $0x3  }
0x36: {  	p1 =	seq.s32 s10, $0x1;
	s10 =	sld [smem:$0x3FB8];
	_ =	sdelay $0x3  }
0x37: {  	[smem:$0x3FB8] =	sst s10  }
0x38: {  	s10 =	sld [smem:$0x3FB9]  }
0x39: {  	_ = 	snop;
	(pc) =	sbr.ind lr, $3  }
0x3a: {  	_ = 	snop  }
0x3b: {  	_ = 	snop  }
0x3c: {  	p2 =	seq.s32 s10, $0x1;
	s10 =	sld [smem:$0x3FB8]  }
0x3d: {  	_ =	shalt  }
0x3e: {  	_ =	shalt  }
0x3f: {  	_ =	shalt  }
0x40: {  	_ =	shalt  }
0x41: {  	_ =	shalt  }
0x42: {  	_ =	shalt  }
0x43: {  	_ =	shalt  }
0x44: {  	_ =	shalt  }
0x45: {  	_ =	shalt  }
0x46: {  	_ =	shalt  }
0x47: {  	_ =	shalt  }
0x48: {  	_ =	shalt  }
0x49: {  	_ =	shalt  }
0x4a: {  	_ =	shalt  }
0x4b: {  	_ =	shalt  }
0x4c: {  	_ =	shalt  }
0x4d: {  	_ =	shalt  }
0x4e: {  	_ =	shalt  }
0x4f: {  	_ =	shalt  }
0x50: {  	_ =	shalt  }
0x51: {  	_ =	shalt  }
0x52: {  	_ =	shalt  }
0x53: {  	_ =	shalt  }
0x54: {  	_ =	shalt  }
0x55: {  	_ =	shalt  }
0x56: {  	_ =	shalt  }
0x57: {  	_ =	shalt  }
0x58: {  	_ =	shalt  }
0x59: {  	_ =	shalt  }
0x5a: {  	_ =	shalt  }
0x5b: {  	_ =	shalt  }
0x5c: {  	_ =	shalt  }
0x5d: {  	_ =	shalt  }
0x5e: {  	_ =	shalt  }
0x5f: {  	_ =	shalt  }
0x60: {  	_ =	shalt  }
0x61: {  	_ =	shalt  }
0x62: {  	_ =	shalt  }
0x63: {  	_ =	shalt  }
0x64: {  	_ =	shalt  }
0x65: {  	_ =	shalt  }
0x66: {  	_ =	shalt  }
0x67: {  	_ =	shalt  }
0x68: {  	_ =	shalt  }
0x69: {  	_ =	shalt  }
0x6a: {  	_ =	shalt  }
0x6b: {  	_ =	shalt  }
0x6c: {  	_ =	shalt  }
0x6d: {  	_ =	shalt  }
0x6e: {  	_ =	shalt  }
0x6f: {  	_ =	shalt  }
0x70: {  	_ =	shalt  }
0x71: {  	_ =	shalt  }
0x72: {  	_ =	shalt  }
0x73: {  	_ =	shalt  }
0x74: {  	_ =	shalt  }
0x75: {  	_ =	shalt  }
0x76: {  	_ =	shalt  }
0x77: {  	_ =	shalt  }
0x78: {  	_ =	shalt  }
0x79: {  	_ =	shalt  }
0x7a: {  	_ =	shalt  }
0x7b: {  	_ =	shalt  }
0x7c: {  	_ =	shalt  }
0x7d: {  	_ =	shalt  }
0x7e: {  	_ =	shalt  }
0x7f: {  	_ =	shalt  }
0x80: {  	_ =	shalt  }
0x81: {  	_ =	shalt  }
0x82: {  	_ =	shalt  }
0x83: {  	_ =	shalt  }
0x84: {  	_ =	shalt  }
0x85: {  	_ =	shalt  }
0x86: {  	_ =	shalt  }
0x87: {  	_ =	shalt  }
.Lfunc_end0:
.L_simem_size_0:
called_computation_lowered:
.L_overlay_start_0:
0x88: {  	s2 =	sld [smem:$0x3FD9]  }
0x89: {  	s3 =	sld [smem:$0x3FFE];
	_ =	sdelay $0x1  }
0x8a: {  	s1 =	srdreg.scid  }
0x8b: {  	s0 =	sand.u32 $0x1, s1  }
0x8c: {  	s17 =	sshll.u32 s0, $0xA;
	s2 =	sadd.s32 s3, s2  }
0x8d: {  	s2 =	sadd.s32 s2, s17  }
0x8e: {  	[smem:$0x3FC4] =	sst s2  }
0x8f: {  	_ = 	snop  }
0x90: {  	s2 =	sld [smem:$0x3FC9]  }
0x91: {  	s18 =	sld [smem:$0x3FC8]  }
0x92: {  	s4 =	sld [smem:$0x3FC7]  }
0x93: {  	s5 =	sld [smem:$0x3FC6]  }
0x94: {  	s6 =	sld [smem:$0x3FD0];
	(tm) =	ssettm $0x1  }
0x95: {  	s7 =	sld [smem:$0x3FFB];
	_ =	sdelay $0x3  }
0x96: {  	_ =	strace s7  }
0x97: {  	s7 =	sld [smem:$0x3FFC];
	_ =	sdelay $0x3  }
0x98: {  	_ =	strace s7  }
0x99: {  	s7 =	sld [smem:$0x3FFD];
	_ =	sdelay $0x3  }
0x9a: {  	_ =	strace s7  }
0x9b: {  	_ =	strace $0x8FFFFFFF  }
0x9c: {  	s19 =	sld [smem:$0x3FDB];
	_ =	sdelay $0x1  }
0x9d: {  	s8 =	simm.s32 $_scs_section_size  }
0x9e: {  	s9 =	simm.s32 $_size__tile_overlayer_lowered;
	s10 =	simm.s32 $_tile_overlayer_lowered  }
0x9f: {  	s22 =	simm.s32 $0x1BFF;
	s21 =	sshll.u32 s10, $0x1;
	s7 =	sadd.s32 s8, s19  }
0xa0: {  	s11 =	simm.s32 $0x0;
	s20 =	sshll.u32 s9, $0x1;
	s9 =	sadd.s32 s21, s7  }
0xa1: {  	[timem:s11], [sflag:s22] =	dma.local [hbm:s9], s20  }
0xa2: {  	_ =	swait.ge [sflag:s22], s20  }
0xa3: {  	s8 =	ssub.s32 $0x0, s20;
	[sflag:s22] =	ssyncset.done $0x0  }
0xa4: {  	[sflag:s22] =	ssyncadd.s32 s8;
	_ =	sdelay $0x1  }
0xa5: {  	s23 =	simm.s32 $0x1B8B  }
0xa6: {  	_ =	swait.ge [sflag:s23], $0x1  }
0xa7: {  	[sflag:s23] =	ssyncset.done $0x0  }
0xa8: {  	s25 =	simm.s32 $0x1B8E;
	s24 =	sld [smem:$0x3FFE];
	[sflag:s23] =	ssyncadd.s32 $0xFFFFFFFF  }
0xa9: {  	s26 =	simm.s32 $execute0_lowered;
	[smem:$0x3FD2] =	sst s25  }
0xaa: {  	s9 =	sshll.u32 s26, $0x1;
	_ =	strace $0x80000046;
	[dreg:$0x1] =	wrdreg $0xFFFFFFFF  }
0xab: {  	s28 =	simm.s32 $_size_execute0_lowered;
	s7 =	sadd.s32 s7, s9;
	[dreg:$0x0] =	wrdreg $0x0  }
0xac: {  	s9 =	sshll.u32 s28, $0x1;
	[dreg:$0x2] =	wrdreg s7  }
0xad: {  	[dreg:$0x3] =	wrdreg s9  }
0xae: {  	[dreg:$0x4] =	wrdreg $0xC0  }
0xaf: {  	_ =	task [dreg:s11], $0x5FFFF  }
0xb0: {  	[dreg:$0x1] =	wrdreg $0xFFFFFFFF  }
0xb1: {  	[dreg:$0x0] =	wrdreg $0x60  }
0xb2: {  	[dreg:$0x2] =	wrdreg s2  }
0xb3: {  	[dreg:$0x3] =	wrdreg s18  }
0xb4: {  	[dreg:$0x4] =	wrdreg s4  }
0xb5: {  	[dreg:$0x5] =	wrdreg s5  }
0xb6: {  	[dreg:$0x6] =	wrdreg s6  }
0xb7: {  	[dreg:$0x7] =	wrdreg s24  }
0xb8: {  	[dreg:$0x8] =	wrdreg $0x9  }
0xb9: {  	_ =	task.clear_ibuf [dreg:s11], $0x9FFFF;
	_ =	strace $0x90000046  }
0xba: {  	s29 =	simm.s32 $0x9;
	_ =	strace $0x80000048  }
0xbb: {  	_ =	swait.ge [sflag:s29], $0x1  }
0xbc: {  	[sflag:s29] =	ssyncadd.s32 $0xFFFFFFFF  }
0xbd: {  	_ =	strace $0x90000048  }
0xbe: {  	_ =	sfence  }
0xbf: {  	s30 =	sld [smem:$0x0];
	_ =	sdelay $0x2  }
0xc0: {  	s31 =	sshll.u32 s1, $0xD;
	s1 =	sshrl.u32 s1, $0x2  }
0xc1: {  	s3 =	sand.u32 $0x4000, s31;
	s1 =	sadd.s32 s1, s30  }
0xc2: {  	s0 =	sor.u32 s3, s0;
	s1 =	sshll.u32 s1, $0x11  }
0xc3: {  	s0 =	sor.u32 s1, s0  }
0xc4: {  	s0 =	sadd.s32 $0x8F2B, s0  }
0xc5: {  	[sflag:s0] =	ssyncadd.remote.s32 $0x1  }
0xc6: {  	_ =	sfence.sel $0xFFFF  }
0xc7: {  	[dreg:$0x0] =	wrdreg $0xFFFFFFFF;
	(pc) =	sbr.abs _section_cstart, $3  }
0xc8: {  	[dreg:$0x1] =	wrdreg $0xFFFFFFFF  }
0xc9: {  	_ =	task.clear_ibuf [dreg:s11], $0x2FFFF;
	_ =	strace $0x9FFFFFFF  }
0xca: {  	(tm) =	ssettm $0x7FFFFFFF  }
0xcb: {  	_ =	shalt  }
tec
execute0_lowered:
.L_overlay_start_1:
0x0: {  	(tag) =	ssettag $0x1  }
0x1: {  	s0 =	rddreg [dreg:$0x0]  }
0x2: {  	s1 =	rddreg [dreg:$0x1]  }
0x3: {  	s3 =	rddreg [dreg:$0x2]  }
0x4: {  	s4 =	rddreg [dreg:$0x3]  }
0x5: {  	s5 =	rddreg [dreg:$0x4]  }
0x6: {  	s6 =	rddreg [dreg:$0x5];
	s2 =	simm.s32 $0x0;
	s7 =	srdreg.scid  }
0x7: {  	s13 =	stileid.u32;
	s28 =	simm.s32 $0x15300;
	s29 =	simm.s32 $0x16B00  }
0x8: {  	[smem:$0x7FF] =	sst s2;
	s7 =	sand.u32 $0x1, s7;
	s9 =	sshll.u32 s13, $0x9  }
0x9: {  	s6 =	sadd.s32 $0x800, s6;
	s12 =	sshll.u32 s13, $0xA;
	s14 =	sshll.u32 s13, $0xE  }
0xa: {  	s15 =	sshll.u32 s13, $0x7;
	s16 =	sand.u32 $0x3, s13;
	s4 =	sadd.s32 $0x10000, s4  }
0xb: {  	p0 =	sgt.u32 s13, $0x8;
	s13 =	simm.s32 $0x12300;
	s8 =	ssub.s32 $0x2, s7  }
0xc: {  	s10 =	sshll.u32 s7, $0x8;
	_ =	strace $0x80000047;
	s26 =	smul.u32 $0x90000, s7  }
0xd: {  	s17 =	smul.u32 $0x24000, s16;
	s11 =	sshrl.u32 s8, $0x1;
	s9 =	sor.u32 s10, s9  }
0xe: {  	[dreg:$0x8] =	wrdreg s4;
	s10 =	ssub.s32 s8, s11;
	s25 =	sshrl.u32 s9, $0x3  }
0xf: {  	s11 =	sadd.s32 $0x10000, s3;
	s3 =	sadd.s32 s14, s26;
	s22 =	sshll.u32 s9, $0x7  }
0x10: {  	s14 =	simm.s32 $0x300;
	s9 =	simm.s32 $0x0;
	s18 =	sadd.s32 s0, s25  }
0x11: {  	s19 =	sadd.s32 s1, s25;
	[dreg:$0x7] =	wrdreg s11;
	s1 =	sor.u32 s15, s12  }
0x12: {  	s3 =	sshrl.u32 s3, $0x3;
	s0 =	sadd.s32 s26, s17;
	s23 =	sadd.s32 s5, s22  }
0x13: {  	s22 =	simm.s32 $0x4;
	s11 =	simm.s32 $0x8300;
	s5 =	simm.s32 $0x1  }
0x14: {  	s1 =	sand.u32 $0x2380, s1;
	s3 =	sadd.s32 s6, s3;
	s0 =	sshrl.u32 s0, $0x3  }
0x15: {  	s24 =	sadd.s32 $0x2000, s23;
	s25 =	sadd.s32 $0x3000, s23;
	[dreg:$0xd] =	wrdreg s23  }
0x16: {  	s26 =	sadd.s32 $0x4000, s23;
	s30 =	sadd.s32 $0x5000, s23;
	[dreg:$0x9] =	wrdreg s3  }
0x17: {  	s31 =	sadd.s32 $0x6000, s23;
	s8 =	sadd.s32 $0x300, s1;
	[dreg:$0xf] =	wrdreg s24  }
0x18: {  	s20 =	sadd.s32 $0x4800, s3;
	s21 =	sadd.s32 $0x9000, s3;
	[dreg:$0x10] =	wrdreg s25  }
0x19: {  	s3 =	sadd.s32 $0xD800, s3;
	s12 =	sadd.s32 s6, s0;
	[dreg:$0x11] =	wrdreg s26  }
.Ltmp0:
0x1a: {  	s1 =	sadd.s32 $0x1000, s23;
	[dreg:$0xa] =	wrdreg s20;
	(pc) =	sbr.rel .LBB2_1-.Ltmp0, $4  }
0x1b: {  	s0 =	sadd.s32 $0x7000, s23;
	s6 =	simm.s32 $0x2;
	[dreg:$0xb] =	wrdreg s21  }
0x1c: {  	v2 =	vlaneseq.u32;
	s23 =	simm.s32 $0x3;
	s25 =	simm.s32 $0x300;
	[dreg:$0xc] =	wrdreg s3  }
0x1d: {  	vm0 =	vmmov $0xffff;
	v1 =	vshrl.u32 v2, $0x3;
	s24 =	simm.s32 $0x10300;
	s26 =	simm.s32 $0x16300;
	[dreg:$0xe] =	wrdreg s1  }
0x1e: {  	v0 =	vand.u32 $0x7, v2;
	v2 =	vor.u32 $0x8, v2;
	v1 =	vmul.u32 $0x8, v1;
	s1 =	smax.u32 s10, $0x1;
	s21 =	simm.s32 $0x14B00;
	s20 =	simm.s32 $0x15B00  }
.LBB2_9:
0x1f: {  	[bflag:$0x0] =	sbarrier.arrive $0xFFFF  }
0x20: {  	v3 =	vld [tilespmem:$0x200];
	_ =	sdelay $0x4  }
0x21: {  	v4 =	vshll.u32 v3, $0x3  }
0x22: {  	v3 =	vand.u32 $0x7, v3;
	v4 =	vand.u32 $0xFFFFFFC0, v4  }
0x23: {  	v3 =	vor.u32 v3, v4  }
0x24: {  	v4 =	vperm.xlane v3, v0;
	_ =	sdelay $0x1  }
0x25: {  	v4 =	vadd.s32 v1, v4;
	_ =	sdelay $0x4  }
0x26: {  	[tilespmem:s25], [sflag:$0x1] =	stream.indirect_vreg.gather [hbm4b:s12+s2], $0x80, v4, vm0, $0xb8;
	[tilespmem:$0x18300] =	vst v63  }
0x27: {  	s10 =	sadd.s32 $0x100, s12;
	s3 =	simm.s32 $0xB00;
	v3 =	vperm.xlane v3, v2  }
0x28: {  	[tilespmem:s3], [sflag:$0x1] =	stream.indirect_vreg.gather [hbm4b:s10+s2], $0x80, v4, vm0, $0xb8;
	[tilespmem:$0x18300] =	vst v63  }
0x29: {  	s11 =	sadd.s32 $0x200, s12;
	s17 =	simm.s32 $0x1300;
	v3 =	vadd.s32 v1, v3  }
0x2a: {  	[tilespmem:s17], [sflag:$0x1] =	stream.indirect_vreg.gather [hbm4b:s11+s2], $0x80, v4, vm0, $0xb8;
	[tilespmem:$0x18300] =	vst v63  }
0x2b: {  	s7 =	sadd.s32 $0x300, s12;
	s4 =	simm.s32 $0x1B00  }
0x2c: {  	[tilespmem:s4], [sflag:$0x1] =	stream.indirect_vreg.gather [hbm4b:s7+s2], $0x80, v4, vm0, $0xb8;
	[tilespmem:$0x18300] =	vst v63  }
0x2d: {  	s14 =	simm.s32 $0x2300  }
0x2e: {  	[tilespmem:s14], [sflag:$0x1] =	stream.indirect_vreg.gather [hbm4b:s12+s2], $0x80, v3, vm0, $0xb8;
	[tilespmem:$0x18300] =	vst v63  }
0x2f: {  	s15 =	simm.s32 $0x2B00  }
0x30: {  	[tilespmem:s15], [sflag:$0x1] =	stream.indirect_vreg.gather [hbm4b:s10+s2], $0x80, v3, vm0, $0xb8;
	[tilespmem:$0x18300] =	vst v63  }
0x31: {  	s16 =	simm.s32 $0x3300  }
0x32: {  	[tilespmem:s16], [sflag:$0x1] =	stream.indirect_vreg.gather [hbm4b:s11+s2], $0x80, v3, vm0, $0xb8;
	[tilespmem:$0x18300] =	vst v63  }
0x33: {  	s17 =	simm.s32 $0x3B00  }
0x34: {  	[tilespmem:s17], [sflag:$0x1] =	stream.indirect_vreg.gather [hbm4b:s7+s2], $0x80, v3, vm0, $0xb8;
	[tilespmem:$0x18300] =	vst v63  }
0x35: {  	v3 =	vld [tilespmem:$0x210];
	_ =	sdelay $0x4  }
0x36: {  	v49 =	vshll.u32 v3, $0x3  }
0x37: {  	v3 =	vand.u32 $0x7, v3;
	v4 =	vand.u32 $0xFFFFFFC0, v49  }
0x38: {  	v3 =	vor.u32 v3, v4  }
0x39: {  	v4 =	vperm.xlane v3, v0;
	_ =	sdelay $0x1  }
0x3a: {  	v4 =	vadd.s32 v1, v4;
	_ =	sdelay $0x3  }
0x3b: {  	s4 =	simm.s32 $0x4300  }
0x3c: {  	[tilespmem:s4], [sflag:$0x1] =	stream.indirect_vreg.gather [hbm4b:s12+s2], $0x80, v4, vm0, $0xb8;
	[tilespmem:$0x18300] =	vst v63  }
0x3d: {  	s14 =	simm.s32 $0x4B00;
	v3 =	vperm.xlane v3, v2  }
0x3e: {  	[tilespmem:s14], [sflag:$0x1] =	stream.indirect_vreg.gather [hbm4b:s10+s2], $0x80, v4, vm0, $0xb8;
	[tilespmem:$0x18300] =	vst v63  }
0x3f: {  	s15 =	simm.s32 $0x5300;
	v3 =	vadd.s32 v1, v3  }
0x40: {  	[tilespmem:s15], [sflag:$0x1] =	stream.indirect_vreg.gather [hbm4b:s11+s2], $0x80, v4, vm0, $0xb8;
	[tilespmem:$0x18300] =	vst v63  }
0x41: {  	s16 =	simm.s32 $0x5B00  }
0x42: {  	[tilespmem:s16], [sflag:$0x1] =	stream.indirect_vreg.gather [hbm4b:s7+s2], $0x80, v4, vm0, $0xb8;
	[tilespmem:$0x18300] =	vst v63  }
0x43: {  	s17 =	simm.s32 $0x6300  }
0x44: {  	[tilespmem:s17], [sflag:$0x1] =	stream.indirect_vreg.gather [hbm4b:s12+s2], $0x80, v3, vm0, $0xb8;
	[tilespmem:$0x18300] =	vst v63  }
0x45: {  	s4 =	simm.s32 $0x6B00  }
0x46: {  	[tilespmem:s4], [sflag:$0x1] =	stream.indirect_vreg.gather [hbm4b:s10+s2], $0x80, v3, vm0, $0xb8;
	[tilespmem:$0x18300] =	vst v63  }
0x47: {  	s14 =	simm.s32 $0x7300  }
0x48: {  	[tilespmem:s14], [sflag:$0x1] =	stream.indirect_vreg.gather [hbm4b:s11+s2], $0x80, v3, vm0, $0xb8;
	[tilespmem:$0x18300] =	vst v63  }
0x49: {  	s15 =	simm.s32 $0x7B00  }
0x4a: {  	[tilespmem:s15], [sflag:$0x1] =	stream.indirect_vreg.gather [hbm4b:s7+s2], $0x80, v3, vm0, $0xb8;
	[tilespmem:$0x18300] =	vst v63  }
0x4b: {  	v3 =	vld [tilespmem:$0x220];
	_ =	sdelay $0x4  }
0x4c: {  	v50 =	vshll.u32 v3, $0x3  }
0x4d: {  	v3 =	vand.u32 $0x7, v3;
	v4 =	vand.u32 $0xFFFFFFC0, v50  }
0x4e: {  	v3 =	vor.u32 v3, v4  }
0x4f: {  	v4 =	vperm.xlane v3, v0;
	_ =	sdelay $0x1  }
0x50: {  	v4 =	vadd.s32 v1, v4;
	_ =	sdelay $0x3  }
0x51: {  	s3 =	simm.s32 $0x8300  }
0x52: {  	[tilespmem:s3], [sflag:$0x2] =	stream.indirect_vreg.gather [hbm4b:s12+s2], $0x80, v4, vm0, $0xb8;
	[tilespmem:$0x18300] =	vst v63  }
0x53: {  	s16 =	simm.s32 $0x8B00;
	v3 =	vperm.xlane v3, v2  }
0x54: {  	[tilespmem:s16], [sflag:$0x2] =	stream.indirect_vreg.gather [hbm4b:s10+s2], $0x80, v4, vm0, $0xb8;
	[tilespmem:$0x18300] =	vst v63  }
0x55: {  	s17 =	simm.s32 $0x9300;
	v3 =	vadd.s32 v1, v3  }
0x56: {  	[tilespmem:s17], [sflag:$0x2] =	stream.indirect_vreg.gather [hbm4b:s11+s2], $0x80, v4, vm0, $0xb8;
	[tilespmem:$0x18300] =	vst v63  }
0x57: {  	s14 =	simm.s32 $0x9B00  }
0x58: {  	[tilespmem:s14], [sflag:$0x2] =	stream.indirect_vreg.gather [hbm4b:s7+s2], $0x80, v4, vm0, $0xb8;
	[tilespmem:$0x18300] =	vst v63  }
0x59: {  	s15 =	simm.s32 $0xA300  }
0x5a: {  	[tilespmem:s15], [sflag:$0x2] =	stream.indirect_vreg.gather [hbm4b:s12+s2], $0x80, v3, vm0, $0xb8;
	[tilespmem:$0x18300] =	vst v63  }
0x5b: {  	s16 =	simm.s32 $0xAB00  }
0x5c: {  	[tilespmem:s16], [sflag:$0x2] =	stream.indirect_vreg.gather [hbm4b:s10+s2], $0x80, v3, vm0, $0xb8;
	[tilespmem:$0x18300] =	vst v63  }
0x5d: {  	s17 =	simm.s32 $0xB300  }
0x5e: {  	[tilespmem:s17], [sflag:$0x2] =	stream.indirect_vreg.gather [hbm4b:s11+s2], $0x80, v3, vm0, $0xb8;
	[tilespmem:$0x18300] =	vst v63  }
0x5f: {  	s14 =	simm.s32 $0xBB00  }
0x60: {  	[tilespmem:s14], [sflag:$0x2] =	stream.indirect_vreg.gather [hbm4b:s7+s2], $0x80, v3, vm0, $0xb8;
	[tilespmem:$0x18300] =	vst v63  }
0x61: {  	v3 =	vld [tilespmem:$0x230];
	_ =	sdelay $0x4  }
0x62: {  	v51 =	vshll.u32 v3, $0x3  }
0x63: {  	v3 =	vand.u32 $0x7, v3;
	v4 =	vand.u32 $0xFFFFFFC0, v51  }
0x64: {  	v3 =	vor.u32 v3, v4  }
0x65: {  	v4 =	vperm.xlane v3, v0;
	_ =	sdelay $0x1  }
0x66: {  	v4 =	vadd.s32 v1, v4;
	_ =	sdelay $0x3  }
0x67: {  	s15 =	simm.s32 $0xC300  }
0x68: {  	[tilespmem:s15], [sflag:$0x2] =	stream.indirect_vreg.gather [hbm4b:s12+s2], $0x80, v4, vm0, $0xb8;
	[tilespmem:$0x18300] =	vst v63  }
0x69: {  	s16 =	simm.s32 $0xCB00;
	v3 =	vperm.xlane v3, v2  }
0x6a: {  	[tilespmem:s16], [sflag:$0x2] =	stream.indirect_vreg.gather [hbm4b:s10+s2], $0x80, v4, vm0, $0xb8;
	[tilespmem:$0x18300] =	vst v63  }
0x6b: {  	s17 =	simm.s32 $0xD300;
	v3 =	vadd.s32 v1, v3  }
0x6c: {  	[tilespmem:s17], [sflag:$0x2] =	stream.indirect_vreg.gather [hbm4b:s11+s2], $0x80, v4, vm0, $0xb8;
	[tilespmem:$0x18300] =	vst v63  }
0x6d: {  	s14 =	simm.s32 $0xDB00  }
0x6e: {  	[tilespmem:s14], [sflag:$0x2] =	stream.indirect_vreg.gather [hbm4b:s7+s2], $0x80, v4, vm0, $0xb8;
	[tilespmem:$0x18300] =	vst v63  }
0x6f: {  	s15 =	simm.s32 $0xE300  }
0x70: {  	[tilespmem:s15], [sflag:$0x2] =	stream.indirect_vreg.gather [hbm4b:s12+s2], $0x80, v3, vm0, $0xb8;
	[tilespmem:$0x18300] =	vst v63  }
0x71: {  	s16 =	simm.s32 $0xEB00  }
0x72: {  	[tilespmem:s16], [sflag:$0x2] =	stream.indirect_vreg.gather [hbm4b:s10+s2], $0x80, v3, vm0, $0xb8;
	[tilespmem:$0x18300] =	vst v63  }
0x73: {  	s17 =	simm.s32 $0xF300  }
0x74: {  	[tilespmem:s17], [sflag:$0x2] =	stream.indirect_vreg.gather [hbm4b:s11+s2], $0x80, v3, vm0, $0xb8;
	[tilespmem:$0x18300] =	vst v63  }
0x75: {  	s14 =	simm.s32 $0xFB00  }
0x76: {  	[tilespmem:s14], [sflag:$0x2] =	stream.indirect_vreg.gather [hbm4b:s7+s2], $0x80, v3, vm0, $0xb8;
	[tilespmem:$0x18300] =	vst v63  }
0x77: {  	v3 =	vld [tilespmem:$0x240];
	_ =	sdelay $0x4  }
0x78: {  	v52 =	vshll.u32 v3, $0x3  }
0x79: {  	v3 =	vand.u32 $0x7, v3;
	v4 =	vand.u32 $0xFFFFFFC0, v52  }
0x7a: {  	v3 =	vor.u32 v3, v4  }
0x7b: {  	v4 =	vperm.xlane v3, v0;
	_ =	sdelay $0x1  }
0x7c: {  	v4 =	vadd.s32 v1, v4;
	_ =	sdelay $0x4  }
0x7d: {  	[tilespmem:s24], [sflag:$0x3] =	stream.indirect_vreg.gather [hbm4b:s12+s2], $0x80, v4, vm0, $0xb8;
	[tilespmem:$0x18300] =	vst v63  }
0x7e: {  	s15 =	simm.s32 $0x10B00;
	v3 =	vperm.xlane v3, v2  }
0x7f: {  	[tilespmem:s15], [sflag:$0x3] =	stream.indirect_vreg.gather [hbm4b:s10+s2], $0x80, v4, vm0, $0xb8;
	[tilespmem:$0x18300] =	vst v63  }
0x80: {  	s16 =	simm.s32 $0x11300;
	v3 =	vadd.s32 v1, v3  }
0x81: {  	[tilespmem:s16], [sflag:$0x3] =	stream.indirect_vreg.gather [hbm4b:s11+s2], $0x80, v4, vm0, $0xb8;
	[tilespmem:$0x18300] =	vst v63  }
0x82: {  	s17 =	simm.s32 $0x11B00  }
0x83: {  	[tilespmem:s17], [sflag:$0x3] =	stream.indirect_vreg.gather [hbm4b:s7+s2], $0x80, v4, vm0, $0xb8;
	[tilespmem:$0x18300] =	vst v63  }
0x84: {  	_ = 	snop  }
0x85: {  	[tilespmem:s13], [sflag:$0x3] =	stream.indirect_vreg.gather [hbm4b:s12+s2], $0x80, v3, vm0, $0xb8;
	[tilespmem:$0x18300] =	vst v63  }
0x86: {  	s14 =	simm.s32 $0x12B00  }
0x87: {  	[tilespmem:s14], [sflag:$0x3] =	stream.indirect_vreg.gather [hbm4b:s10+s2], $0x80, v3, vm0, $0xb8;
	[tilespmem:$0x18300] =	vst v63  }
0x88: {  	s15 =	simm.s32 $0x13300  }
0x89: {  	[tilespmem:s15], [sflag:$0x3] =	stream.indirect_vreg.gather [hbm4b:s11+s2], $0x80, v3, vm0, $0xb8;
	[tilespmem:$0x18300] =	vst v63  }
0x8a: {  	s16 =	simm.s32 $0x13B00  }
0x8b: {  	[tilespmem:s16], [sflag:$0x3] =	stream.indirect_vreg.gather [hbm4b:s7+s2], $0x80, v3, vm0, $0xb8;
	[tilespmem:$0x18300] =	vst v63  }
0x8c: {  	v3 =	vld [tilespmem:$0x250];
	_ =	sdelay $0x4  }
0x8d: {  	v53 =	vshll.u32 v3, $0x3  }
0x8e: {  	v3 =	vand.u32 $0x7, v3;
	v4 =	vand.u32 $0xFFFFFFC0, v53  }
0x8f: {  	v3 =	vor.u32 v3, v4  }
0x90: {  	v4 =	vperm.xlane v3, v0;
	_ =	sdelay $0x1  }
0x91: {  	v4 =	vadd.s32 v1, v4;
	_ =	sdelay $0x3  }
0x92: {  	s17 =	simm.s32 $0x14300  }
0x93: {  	[tilespmem:s17], [sflag:$0x3] =	stream.indirect_vreg.gather [hbm4b:s12+s2], $0x80, v4, vm0, $0xb8;
	[tilespmem:$0x18300] =	vst v63  }
0x94: {  	v3 =	vperm.xlane v3, v2  }
0x95: {  	[tilespmem:s21], [sflag:$0x3] =	stream.indirect_vreg.gather [hbm4b:s10+s2], $0x80, v4, vm0, $0xb8;
	[tilespmem:$0x18300] =	vst v63  }
0x96: {  	v3 =	vadd.s32 v1, v3  }
0x97: {  	[tilespmem:s28], [sflag:$0x3] =	stream.indirect_vreg.gather [hbm4b:s11+s2], $0x80, v4, vm0, $0xb8;
	[tilespmem:$0x18300] =	vst v63  }
0x98: {  	_ = 	snop  }
0x99: {  	[tilespmem:s20], [sflag:$0x3] =	stream.indirect_vreg.gather [hbm4b:s7+s2], $0x80, v4, vm0, $0xb8;
	[tilespmem:$0x18300] =	vst v63  }
0x9a: {  	_ = 	snop  }
0x9b: {  	[tilespmem:s26], [sflag:$0x3] =	stream.indirect_vreg.gather [hbm4b:s12+s2], $0x80, v3, vm0, $0xb8;
	[tilespmem:$0x18300] =	vst v63  }
0x9c: {  	_ = 	snop  }
0x9d: {  	[tilespmem:s29], [sflag:$0x3] =	stream.indirect_vreg.gather [hbm4b:s10+s2], $0x80, v3, vm0, $0xb8;
	[tilespmem:$0x18300] =	vst v63  }
0x9e: {  	s4 =	smov.u32 s0;
	s0 =	simm.s32 $0x17300  }
0x9f: {  	[tilespmem:s0], [sflag:$0x3] =	stream.indirect_vreg.gather [hbm4b:s11+s2], $0x80, v3, vm0, $0xb8;
	[tilespmem:$0x18300] =	vst v63  }
0xa0: {  	s0 =	simm.s32 $0x17B00  }
0xa1: {  	[tilespmem:s0], [sflag:$0x3] =	stream.indirect_vreg.gather [hbm4b:s7+s2], $0x80, v3, vm0, $0xb8;
	[tilespmem:$0x18300] =	vst v63  }
0xa2: {  	_ =	swait.ge [sflag:s5], $0x4000  }
0xa3: {  	[sflag:s5] =	ssyncset.done $0x0  }
0xa4: {  	[sflag:s5] =	ssyncadd.s32 $0xFFFFC000  }
0xa5: {  	_ =	swait.ge [sflag:s5], $0x4000  }
0xa6: {  	[sflag:s5] =	ssyncset.done $0x0  }
0xa7: {  	s0 =	smov.u32 s1;
	s1 =	rddreg [dreg:$0xd];
	[sflag:s5] =	ssyncadd.s32 $0xFFFFC000  }
0xa8: {  	[hbm4b:s1+s2] =	stream.linear.scatter [tilespmem:s25], [sflag:$0x1], $0x8000, $0x38;
	[tilespmem:$0x18300] =	vst v63  }
0xa9: {  	_ =	swait.ge [sflag:s6], $0x4000  }
0xaa: {  	[sflag:s6] =	ssyncset.done $0x0  }
0xab: {  	[sflag:s6] =	ssyncadd.s32 $0xFFFFC000  }
0xac: {  	_ =	swait.ge [sflag:s6], $0x4000  }
0xad: {  	[sflag:s6] =	ssyncset.done $0x0  }
0xae: {  	s1 =	rddreg [dreg:$0xe];
	[sflag:s6] =	ssyncadd.s32 $0xFFFFC000  }
0xaf: {  	[hbm4b:s1+s2] =	stream.linear.scatter [tilespmem:s3], [sflag:$0x2], $0x8000, $0x38;
	[tilespmem:$0x18300] =	vst v63  }
0xb0: {  	_ =	swait.ge [sflag:s23], $0x4000  }
0xb1: {  	[sflag:s23] =	ssyncset.done $0x0  }
0xb2: {  	[sflag:s23] =	ssyncadd.s32 $0xFFFFC000  }
0xb3: {  	_ =	swait.ge [sflag:s23], $0x4000  }
0xb4: {  	[sflag:s23] =	ssyncset.done $0x0  }
0xb5: {  	s1 =	rddreg [dreg:$0xf];
	[sflag:s23] =	ssyncadd.s32 $0xFFFFC000  }
0xb6: {  	[hbm4b:s1+s2] =	stream.linear.scatter [tilespmem:s24], [sflag:$0x3], $0x8000, $0x38;
	[tilespmem:$0x18300] =	vst v63  }
0xb7: {  	_ =	swait.ge [sflag:s5], $0x8000  }
0xb8: {  	[sflag:s5] =	ssyncset.done $0x0  }
0xb9: {  	[sflag:s5] =	ssyncadd.s32 $0xFFFF8000  }
0xba: {  	v3 =	vld [tilespmem:$0x260];
	_ =	sdelay $0x4  }
0xbb: {  	v54 =	vshll.u32 v3, $0x3  }
0xbc: {  	v3 =	vand.u32 $0x7, v3;
	v4 =	vand.u32 $0xFFFFFFC0, v54  }
0xbd: {  	v3 =	vor.u32 v3, v4  }
0xbe: {  	v4 =	vperm.xlane v3, v0;
	_ =	sdelay $0x1  }
0xbf: {  	v4 =	vadd.s32 v1, v4;
	_ =	sdelay $0x4  }
0xc0: {  	[tilespmem:s25], [sflag:$0x1] =	stream.indirect_vreg.gather [hbm4b:s12+s2], $0x80, v4, vm0, $0xb8;
	[tilespmem:$0x18300] =	vst v63  }
0xc1: {  	s1 =	simm.s32 $0xB00;
	v3 =	vperm.xlane v3, v2  }
0xc2: {  	[tilespmem:s1], [sflag:$0x1] =	stream.indirect_vreg.gather [hbm4b:s10+s2], $0x80, v4, vm0, $0xb8;
	[tilespmem:$0x18300] =	vst v63  }
0xc3: {  	v3 =	vadd.s32 v1, v3;
	s1 =	simm.s32 $0x1300  }
0xc4: {  	[tilespmem:s1], [sflag:$0x1] =	stream.indirect_vreg.gather [hbm4b:s11+s2], $0x80, v4, vm0, $0xb8;
	[tilespmem:$0x18300] =	vst v63  }
0xc5: {  	s1 =	simm.s32 $0x1B00  }
0xc6: {  	[tilespmem:s1], [sflag:$0x1] =	stream.indirect_vreg.gather [hbm4b:s7+s2], $0x80, v4, vm0, $0xb8;
	[tilespmem:$0x18300] =	vst v63  }
0xc7: {  	s1 =	simm.s32 $0x2300  }
0xc8: {  	[tilespmem:s1], [sflag:$0x1] =	stream.indirect_vreg.gather [hbm4b:s12+s2], $0x80, v3, vm0, $0xb8;
	[tilespmem:$0x18300] =	vst v63  }
0xc9: {  	s1 =	simm.s32 $0x2B00  }
0xca: {  	[tilespmem:s1], [sflag:$0x1] =	stream.indirect_vreg.gather [hbm4b:s10+s2], $0x80, v3, vm0, $0xb8;
	[tilespmem:$0x18300] =	vst v63  }
0xcb: {  	s1 =	simm.s32 $0x3300  }
0xcc: {  	[tilespmem:s1], [sflag:$0x1] =	stream.indirect_vreg.gather [hbm4b:s11+s2], $0x80, v3, vm0, $0xb8;
	[tilespmem:$0x18300] =	vst v63  }
0xcd: {  	s1 =	simm.s32 $0x3B00  }
0xce: {  	[tilespmem:s1], [sflag:$0x1] =	stream.indirect_vreg.gather [hbm4b:s7+s2], $0x80, v3, vm0, $0xb8;
	[tilespmem:$0x18300] =	vst v63  }
0xcf: {  	v3 =	vld [tilespmem:$0x270];
	_ =	sdelay $0x4  }
0xd0: {  	v55 =	vshll.u32 v3, $0x3  }
0xd1: {  	v3 =	vand.u32 $0x7, v3;
	v4 =	vand.u32 $0xFFFFFFC0, v55  }
0xd2: {  	v3 =	vor.u32 v3, v4  }
0xd3: {  	v4 =	vperm.xlane v3, v0;
	_ =	sdelay $0x1  }
0xd4: {  	v4 =	vadd.s32 v1, v4;
	_ =	sdelay $0x3  }
0xd5: {  	s1 =	simm.s32 $0x4300  }
0xd6: {  	[tilespmem:s1], [sflag:$0x1] =	stream.indirect_vreg.gather [hbm4b:s12+s2], $0x80, v4, vm0, $0xb8;
	[tilespmem:$0x18300] =	vst v63  }
0xd7: {  	v3 =	vperm.xlane v3, v2;
	s1 =	simm.s32 $0x4B00  }
0xd8: {  	[tilespmem:s1], [sflag:$0x1] =	stream.indirect_vreg.gather [hbm4b:s10+s2], $0x80, v4, vm0, $0xb8;
	[tilespmem:$0x18300] =	vst v63  }
0xd9: {  	v3 =	vadd.s32 v1, v3;
	s1 =	simm.s32 $0x5300  }
0xda: {  	[tilespmem:s1], [sflag:$0x1] =	stream.indirect_vreg.gather [hbm4b:s11+s2], $0x80, v4, vm0, $0xb8;
	[tilespmem:$0x18300] =	vst v63  }
0xdb: {  	s1 =	simm.s32 $0x5B00  }
0xdc: {  	[tilespmem:s1], [sflag:$0x1] =	stream.indirect_vreg.gather [hbm4b:s7+s2], $0x80, v4, vm0, $0xb8;
	[tilespmem:$0x18300] =	vst v63  }
0xdd: {  	s1 =	simm.s32 $0x6300  }
0xde: {  	[tilespmem:s1], [sflag:$0x1] =	stream.indirect_vreg.gather [hbm4b:s12+s2], $0x80, v3, vm0, $0xb8;
	[tilespmem:$0x18300] =	vst v63  }
0xdf: {  	s1 =	simm.s32 $0x6B00  }
0xe0: {  	[tilespmem:s1], [sflag:$0x1] =	stream.indirect_vreg.gather [hbm4b:s10+s2], $0x80, v3, vm0, $0xb8;
	[tilespmem:$0x18300] =	vst v63  }
0xe1: {  	s1 =	simm.s32 $0x7300  }
0xe2: {  	[tilespmem:s1], [sflag:$0x1] =	stream.indirect_vreg.gather [hbm4b:s11+s2], $0x80, v3, vm0, $0xb8;
	[tilespmem:$0x18300] =	vst v63  }
0xe3: {  	s1 =	simm.s32 $0x7B00  }
0xe4: {  	[tilespmem:s1], [sflag:$0x1] =	stream.indirect_vreg.gather [hbm4b:s7+s2], $0x80, v3, vm0, $0xb8;
	[tilespmem:$0x18300] =	vst v63  }
0xe5: {  	_ =	swait.ge [sflag:s5], $0x4000  }
0xe6: {  	[sflag:s5] =	ssyncset.done $0x0  }
0xe7: {  	[sflag:s5] =	ssyncadd.s32 $0xFFFFC000  }
0xe8: {  	_ =	swait.ge [sflag:s5], $0x4000  }
0xe9: {  	[sflag:s5] =	ssyncset.done $0x0  }
0xea: {  	s1 =	rddreg [dreg:$0x10];
	[sflag:s5] =	ssyncadd.s32 $0xFFFFC000  }
0xeb: {  	[hbm4b:s1+s2] =	stream.linear.scatter [tilespmem:s25], [sflag:$0x1], $0x8000, $0x38;
	[tilespmem:$0x18300] =	vst v63  }
0xec: {  	_ =	swait.ge [sflag:s6], $0x8000  }
0xed: {  	[sflag:s6] =	ssyncset.done $0x0  }
0xee: {  	[sflag:s6] =	ssyncadd.s32 $0xFFFF8000  }
0xef: {  	v3 =	vld [tilespmem:$0x280];
	_ =	sdelay $0x4  }
0xf0: {  	v56 =	vshll.u32 v3, $0x3  }
0xf1: {  	v3 =	vand.u32 $0x7, v3;
	v4 =	vand.u32 $0xFFFFFFC0, v56  }
0xf2: {  	v3 =	vor.u32 v3, v4  }
0xf3: {  	v4 =	vperm.xlane v3, v0;
	_ =	sdelay $0x1  }
0xf4: {  	v4 =	vadd.s32 v1, v4;
	_ =	sdelay $0x4  }
0xf5: {  	[tilespmem:s3], [sflag:$0x2] =	stream.indirect_vreg.gather [hbm4b:s12+s2], $0x80, v4, vm0, $0xb8;
	[tilespmem:$0x18300] =	vst v63  }
0xf6: {  	s1 =	simm.s32 $0x8B00;
	v3 =	vperm.xlane v3, v2  }
0xf7: {  	[tilespmem:s1], [sflag:$0x2] =	stream.indirect_vreg.gather [hbm4b:s10+s2], $0x80, v4, vm0, $0xb8;
	[tilespmem:$0x18300] =	vst v63  }
0xf8: {  	v3 =	vadd.s32 v1, v3;
	s1 =	simm.s32 $0x9300  }
0xf9: {  	[tilespmem:s1], [sflag:$0x2] =	stream.indirect_vreg.gather [hbm4b:s11+s2], $0x80, v4, vm0, $0xb8;
	[tilespmem:$0x18300] =	vst v63  }
0xfa: {  	s1 =	simm.s32 $0x9B00  }
0xfb: {  	[tilespmem:s1], [sflag:$0x2] =	stream.indirect_vreg.gather [hbm4b:s7+s2], $0x80, v4, vm0, $0xb8;
	[tilespmem:$0x18300] =	vst v63  }
0xfc: {  	s1 =	simm.s32 $0xA300  }
0xfd: {  	[tilespmem:s1], [sflag:$0x2] =	stream.indirect_vreg.gather [hbm4b:s12+s2], $0x80, v3, vm0, $0xb8;
	[tilespmem:$0x18300] =	vst v63  }
0xfe: {  	s1 =	simm.s32 $0xAB00  }
0xff: {  	[tilespmem:s1], [sflag:$0x2] =	stream.indirect_vreg.gather [hbm4b:s10+s2], $0x80, v3, vm0, $0xb8;
	[tilespmem:$0x18300] =	vst v63  }
0x100: {  	s1 =	simm.s32 $0xB300  }
0x101: {  	[tilespmem:s1], [sflag:$0x2] =	stream.indirect_vreg.gather [hbm4b:s11+s2], $0x80, v3, vm0, $0xb8;
	[tilespmem:$0x18300] =	vst v63  }
0x102: {  	s1 =	simm.s32 $0xBB00  }
0x103: {  	[tilespmem:s1], [sflag:$0x2] =	stream.indirect_vreg.gather [hbm4b:s7+s2], $0x80, v3, vm0, $0xb8;
	[tilespmem:$0x18300] =	vst v63  }
0x104: {  	v3 =	vld [tilespmem:$0x290];
	_ =	sdelay $0x4  }
0x105: {  	v57 =	vshll.u32 v3, $0x3  }
0x106: {  	v3 =	vand.u32 $0x7, v3;
	v4 =	vand.u32 $0xFFFFFFC0, v57  }
0x107: {  	v3 =	vor.u32 v3, v4  }
0x108: {  	v4 =	vperm.xlane v3, v0;
	_ =	sdelay $0x1  }
0x109: {  	v4 =	vadd.s32 v1, v4;
	_ =	sdelay $0x3  }
0x10a: {  	s1 =	simm.s32 $0xC300  }
0x10b: {  	[tilespmem:s1], [sflag:$0x2] =	stream.indirect_vreg.gather [hbm4b:s12+s2], $0x80, v4, vm0, $0xb8;
	[tilespmem:$0x18300] =	vst v63  }
0x10c: {  	v3 =	vperm.xlane v3, v2;
	s1 =	simm.s32 $0xCB00  }
0x10d: {  	[tilespmem:s1], [sflag:$0x2] =	stream.indirect_vreg.gather [hbm4b:s10+s2], $0x80, v4, vm0, $0xb8;
	[tilespmem:$0x18300] =	vst v63  }
0x10e: {  	v3 =	vadd.s32 v1, v3;
	s1 =	simm.s32 $0xD300  }
0x10f: {  	[tilespmem:s1], [sflag:$0x2] =	stream.indirect_vreg.gather [hbm4b:s11+s2], $0x80, v4, vm0, $0xb8;
	[tilespmem:$0x18300] =	vst v63  }
0x110: {  	s1 =	simm.s32 $0xDB00  }
0x111: {  	[tilespmem:s1], [sflag:$0x2] =	stream.indirect_vreg.gather [hbm4b:s7+s2], $0x80, v4, vm0, $0xb8;
	[tilespmem:$0x18300] =	vst v63  }
0x112: {  	s1 =	simm.s32 $0xE300  }
0x113: {  	[tilespmem:s1], [sflag:$0x2] =	stream.indirect_vreg.gather [hbm4b:s12+s2], $0x80, v3, vm0, $0xb8;
	[tilespmem:$0x18300] =	vst v63  }
0x114: {  	s1 =	simm.s32 $0xEB00  }
0x115: {  	[tilespmem:s1], [sflag:$0x2] =	stream.indirect_vreg.gather [hbm4b:s10+s2], $0x80, v3, vm0, $0xb8;
	[tilespmem:$0x18300] =	vst v63  }
0x116: {  	s1 =	simm.s32 $0xF300  }
0x117: {  	[tilespmem:s1], [sflag:$0x2] =	stream.indirect_vreg.gather [hbm4b:s11+s2], $0x80, v3, vm0, $0xb8;
	[tilespmem:$0x18300] =	vst v63  }
0x118: {  	s1 =	simm.s32 $0xFB00  }
0x119: {  	[tilespmem:s1], [sflag:$0x2] =	stream.indirect_vreg.gather [hbm4b:s7+s2], $0x80, v3, vm0, $0xb8;
	[tilespmem:$0x18300] =	vst v63  }
0x11a: {  	_ =	swait.ge [sflag:s6], $0x4000  }
0x11b: {  	[sflag:s6] =	ssyncset.done $0x0  }
0x11c: {  	[sflag:s6] =	ssyncadd.s32 $0xFFFFC000  }
0x11d: {  	_ =	swait.ge [sflag:s6], $0x4000  }
0x11e: {  	[sflag:s6] =	ssyncset.done $0x0  }
0x11f: {  	s1 =	rddreg [dreg:$0x11];
	[sflag:s6] =	ssyncadd.s32 $0xFFFFC000  }
0x120: {  	[hbm4b:s1+s2] =	stream.linear.scatter [tilespmem:s3], [sflag:$0x2], $0x8000, $0x38;
	[tilespmem:$0x18300] =	vst v63  }
0x121: {  	_ =	swait.ge [sflag:s23], $0x8000  }
0x122: {  	[sflag:s23] =	ssyncset.done $0x0  }
0x123: {  	[sflag:s23] =	ssyncadd.s32 $0xFFFF8000  }
0x124: {  	v3 =	vld [tilespmem:$0x2A0];
	_ =	sdelay $0x4  }
0x125: {  	v58 =	vshll.u32 v3, $0x3  }
0x126: {  	v3 =	vand.u32 $0x7, v3;
	v4 =	vand.u32 $0xFFFFFFC0, v58  }
0x127: {  	v3 =	vor.u32 v3, v4  }
0x128: {  	v4 =	vperm.xlane v3, v0;
	_ =	sdelay $0x1  }
0x129: {  	v4 =	vadd.s32 v1, v4;
	_ =	sdelay $0x4  }
0x12a: {  	[tilespmem:s24], [sflag:$0x3] =	stream.indirect_vreg.gather [hbm4b:s12+s2], $0x80, v4, vm0, $0xb8;
	[tilespmem:$0x18300] =	vst v63  }
0x12b: {  	s1 =	smov.u32 s0;
	s0 =	simm.s32 $0x10B00;
	v3 =	vperm.xlane v3, v2  }
0x12c: {  	[tilespmem:s0], [sflag:$0x3] =	stream.indirect_vreg.gather [hbm4b:s10+s2], $0x80, v4, vm0, $0xb8;
	[tilespmem:$0x18300] =	vst v63  }
0x12d: {  	v3 =	vadd.s32 v1, v3;
	s0 =	simm.s32 $0x11300  }
0x12e: {  	[tilespmem:s0], [sflag:$0x3] =	stream.indirect_vreg.gather [hbm4b:s11+s2], $0x80, v4, vm0, $0xb8;
	[tilespmem:$0x18300] =	vst v63  }
0x12f: {  	s0 =	simm.s32 $0x11B00  }
0x130: {  	[tilespmem:s0], [sflag:$0x3] =	stream.indirect_vreg.gather [hbm4b:s7+s2], $0x80, v4, vm0, $0xb8;
	[tilespmem:$0x18300] =	vst v63  }
0x131: {  	_ = 	snop  }
0x132: {  	[tilespmem:s13], [sflag:$0x3] =	stream.indirect_vreg.gather [hbm4b:s12+s2], $0x80, v3, vm0, $0xb8;
	[tilespmem:$0x18300] =	vst v63  }
0x133: {  	_ = 	snop  }
0x134: {  	[tilespmem:s14], [sflag:$0x3] =	stream.indirect_vreg.gather [hbm4b:s10+s2], $0x80, v3, vm0, $0xb8;
	[tilespmem:$0x18300] =	vst v63  }
0x135: {  	_ = 	snop  }
0x136: {  	[tilespmem:s15], [sflag:$0x3] =	stream.indirect_vreg.gather [hbm4b:s11+s2], $0x80, v3, vm0, $0xb8;
	[tilespmem:$0x18300] =	vst v63  }
0x137: {  	_ = 	snop  }
0x138: {  	[tilespmem:s16], [sflag:$0x3] =	stream.indirect_vreg.gather [hbm4b:s7+s2], $0x80, v3, vm0, $0xb8;
	[tilespmem:$0x18300] =	vst v63  }
0x139: {  	v3 =	vld [tilespmem:$0x2B0];
	_ =	sdelay $0x4  }
0x13a: {  	v59 =	vshll.u32 v3, $0x3  }
0x13b: {  	v3 =	vand.u32 $0x7, v3;
	v4 =	vand.u32 $0xFFFFFFC0, v59  }
0x13c: {  	v3 =	vor.u32 v3, v4  }
0x13d: {  	v4 =	vperm.xlane v3, v0;
	_ =	sdelay $0x1  }
0x13e: {  	v4 =	vadd.s32 v1, v4;
	_ =	sdelay $0x4  }
0x13f: {  	[tilespmem:s17], [sflag:$0x3] =	stream.indirect_vreg.gather [hbm4b:s12+s2], $0x80, v4, vm0, $0xb8;
	[tilespmem:$0x18300] =	vst v63  }
0x140: {  	v3 =	vperm.xlane v3, v2  }
0x141: {  	[tilespmem:s21], [sflag:$0x3] =	stream.indirect_vreg.gather [hbm4b:s10+s2], $0x80, v4, vm0, $0xb8;
	[tilespmem:$0x18300] =	vst v63  }
0x142: {  	v3 =	vadd.s32 v1, v3  }
0x143: {  	[tilespmem:s28], [sflag:$0x3] =	stream.indirect_vreg.gather [hbm4b:s11+s2], $0x80, v4, vm0, $0xb8;
	[tilespmem:$0x18300] =	vst v63  }
0x144: {  	_ = 	snop  }
0x145: {  	[tilespmem:s20], [sflag:$0x3] =	stream.indirect_vreg.gather [hbm4b:s7+s2], $0x80, v4, vm0, $0xb8;
	[tilespmem:$0x18300] =	vst v63  }
0x146: {  	_ = 	snop  }
0x147: {  	[tilespmem:s26], [sflag:$0x3] =	stream.indirect_vreg.gather [hbm4b:s12+s2], $0x80, v3, vm0, $0xb8;
	[tilespmem:$0x18300] =	vst v63  }
0x148: {  	_ = 	snop  }
0x149: {  	[tilespmem:s29], [sflag:$0x3] =	stream.indirect_vreg.gather [hbm4b:s10+s2], $0x80, v3, vm0, $0xb8;
	[tilespmem:$0x18300] =	vst v63  }
0x14a: {  	s14 =	simm.s32 $0x17300  }
0x14b: {  	[tilespmem:s14], [sflag:$0x3] =	stream.indirect_vreg.gather [hbm4b:s11+s2], $0x80, v3, vm0, $0xb8;
	[tilespmem:$0x18300] =	vst v63  }
0x14c: {  	s15 =	simm.s32 $0x17B00  }
0x14d: {  	[tilespmem:s15], [sflag:$0x3] =	stream.indirect_vreg.gather [hbm4b:s7+s2], $0x80, v3, vm0, $0xb8;
	[tilespmem:$0x18300] =	vst v63  }
0x14e: {  	_ =	swait.ge [sflag:s23], $0x4000  }
0x14f: {  	[sflag:s23] =	ssyncset.done $0x0  }
0x150: {  	[sflag:s23] =	ssyncadd.s32 $0xFFFFC000  }
0x151: {  	_ =	swait.ge [sflag:s23], $0x4000  }
0x152: {  	[sflag:s23] =	ssyncset.done $0x0  }
0x153: {  	[sflag:s23] =	ssyncadd.s32 $0xFFFFC000  }
0x154: {  	[hbm4b:s30+s2] =	stream.linear.scatter [tilespmem:s24], [sflag:$0x3], $0x8000, $0x38;
	[tilespmem:$0x18300] =	vst v63  }
0x155: {  	_ =	swait.ge [sflag:s5], $0x8000  }
0x156: {  	[sflag:s5] =	ssyncset.done $0x0  }
0x157: {  	[sflag:s5] =	ssyncadd.s32 $0xFFFF8000  }
0x158: {  	v3 =	vld [tilespmem:$0x2C0];
	_ =	sdelay $0x4  }
0x159: {  	v60 =	vshll.u32 v3, $0x3  }
0x15a: {  	v3 =	vand.u32 $0x7, v3;
	v4 =	vand.u32 $0xFFFFFFC0, v60  }
0x15b: {  	v3 =	vor.u32 v3, v4  }
0x15c: {  	v4 =	vperm.xlane v3, v0;
	_ =	sdelay $0x1  }
0x15d: {  	v4 =	vadd.s32 v1, v4;
	_ =	sdelay $0x4  }
0x15e: {  	[tilespmem:s25], [sflag:$0x1] =	stream.indirect_vreg.gather [hbm4b:s12+s2], $0x80, v4, vm0, $0xb8;
	[tilespmem:$0x18300] =	vst v63  }
0x15f: {  	s16 =	simm.s32 $0xB00;
	v3 =	vperm.xlane v3, v2  }
0x160: {  	[tilespmem:s16], [sflag:$0x1] =	stream.indirect_vreg.gather [hbm4b:s10+s2], $0x80, v4, vm0, $0xb8;
	[tilespmem:$0x18300] =	vst v63  }
0x161: {  	s17 =	simm.s32 $0x1300;
	v3 =	vadd.s32 v1, v3  }
0x162: {  	[tilespmem:s17], [sflag:$0x1] =	stream.indirect_vreg.gather [hbm4b:s11+s2], $0x80, v4, vm0, $0xb8;
	[tilespmem:$0x18300] =	vst v63  }
0x163: {  	s14 =	simm.s32 $0x1B00  }
0x164: {  	[tilespmem:s14], [sflag:$0x1] =	stream.indirect_vreg.gather [hbm4b:s7+s2], $0x80, v4, vm0, $0xb8;
	[tilespmem:$0x18300] =	vst v63  }
0x165: {  	s15 =	simm.s32 $0x2300  }
0x166: {  	[tilespmem:s15], [sflag:$0x1] =	stream.indirect_vreg.gather [hbm4b:s12+s2], $0x80, v3, vm0, $0xb8;
	[tilespmem:$0x18300] =	vst v63  }
0x167: {  	s16 =	simm.s32 $0x2B00  }
0x168: {  	[tilespmem:s16], [sflag:$0x1] =	stream.indirect_vreg.gather [hbm4b:s10+s2], $0x80, v3, vm0, $0xb8;
	[tilespmem:$0x18300] =	vst v63  }
0x169: {  	s17 =	simm.s32 $0x3300  }
0x16a: {  	[tilespmem:s17], [sflag:$0x1] =	stream.indirect_vreg.gather [hbm4b:s11+s2], $0x80, v3, vm0, $0xb8;
	[tilespmem:$0x18300] =	vst v63  }
0x16b: {  	s14 =	simm.s32 $0x3B00  }
0x16c: {  	[tilespmem:s14], [sflag:$0x1] =	stream.indirect_vreg.gather [hbm4b:s7+s2], $0x80, v3, vm0, $0xb8;
	[tilespmem:$0x18300] =	vst v63  }
0x16d: {  	v3 =	vld [tilespmem:$0x2D0];
	_ =	sdelay $0x4  }
0x16e: {  	v61 =	vshll.u32 v3, $0x3  }
0x16f: {  	v3 =	vand.u32 $0x7, v3;
	v4 =	vand.u32 $0xFFFFFFC0, v61  }
0x170: {  	v3 =	vor.u32 v3, v4  }
0x171: {  	v4 =	vperm.xlane v3, v0;
	_ =	sdelay $0x1  }
0x172: {  	v4 =	vadd.s32 v1, v4;
	_ =	sdelay $0x3  }
0x173: {  	s15 =	simm.s32 $0x4300  }
0x174: {  	[tilespmem:s15], [sflag:$0x1] =	stream.indirect_vreg.gather [hbm4b:s12+s2], $0x80, v4, vm0, $0xb8;
	[tilespmem:$0x18300] =	vst v63  }
0x175: {  	s16 =	simm.s32 $0x4B00;
	v3 =	vperm.xlane v3, v2  }
0x176: {  	[tilespmem:s16], [sflag:$0x1] =	stream.indirect_vreg.gather [hbm4b:s10+s2], $0x80, v4, vm0, $0xb8;
	[tilespmem:$0x18300] =	vst v63  }
0x177: {  	s17 =	simm.s32 $0x5300;
	v3 =	vadd.s32 v1, v3  }
0x178: {  	[tilespmem:s17], [sflag:$0x1] =	stream.indirect_vreg.gather [hbm4b:s11+s2], $0x80, v4, vm0, $0xb8;
	[tilespmem:$0x18300] =	vst v63  }
0x179: {  	s14 =	simm.s32 $0x5B00  }
0x17a: {  	[tilespmem:s14], [sflag:$0x1] =	stream.indirect_vreg.gather [hbm4b:s7+s2], $0x80, v4, vm0, $0xb8;
	[tilespmem:$0x18300] =	vst v63  }
0x17b: {  	s15 =	simm.s32 $0x6300  }
0x17c: {  	[tilespmem:s15], [sflag:$0x1] =	stream.indirect_vreg.gather [hbm4b:s12+s2], $0x80, v3, vm0, $0xb8;
	[tilespmem:$0x18300] =	vst v63  }
0x17d: {  	s16 =	simm.s32 $0x6B00  }
0x17e: {  	[tilespmem:s16], [sflag:$0x1] =	stream.indirect_vreg.gather [hbm4b:s10+s2], $0x80, v3, vm0, $0xb8;
	[tilespmem:$0x18300] =	vst v63  }
0x17f: {  	s17 =	simm.s32 $0x7300  }
0x180: {  	[tilespmem:s17], [sflag:$0x1] =	stream.indirect_vreg.gather [hbm4b:s11+s2], $0x80, v3, vm0, $0xb8;
	[tilespmem:$0x18300] =	vst v63  }
0x181: {  	s14 =	simm.s32 $0x7B00  }
0x182: {  	[tilespmem:s14], [sflag:$0x1] =	stream.indirect_vreg.gather [hbm4b:s7+s2], $0x80, v3, vm0, $0xb8;
	[tilespmem:$0x18300] =	vst v63  }
0x183: {  	_ =	swait.ge [sflag:s5], $0x4000  }
0x184: {  	[sflag:s5] =	ssyncset.done $0x0  }
0x185: {  	[sflag:s5] =	ssyncadd.s32 $0xFFFFC000  }
0x186: {  	_ =	swait.ge [sflag:s5], $0x4000  }
0x187: {  	[sflag:s5] =	ssyncset.done $0x0  }
0x188: {  	[sflag:s5] =	ssyncadd.s32 $0xFFFFC000  }
0x189: {  	[hbm4b:s31+s2] =	stream.linear.scatter [tilespmem:s25], [sflag:$0x1], $0x8000, $0x38;
	[tilespmem:$0x18300] =	vst v63  }
0x18a: {  	_ =	swait.ge [sflag:s6], $0x8000  }
0x18b: {  	[sflag:s6] =	ssyncset.done $0x0  }
0x18c: {  	[sflag:s6] =	ssyncadd.s32 $0xFFFF8000  }
0x18d: {  	v3 =	vld [tilespmem:$0x2E0];
	_ =	sdelay $0x4  }
0x18e: {  	v62 =	vshll.u32 v3, $0x3  }
0x18f: {  	v3 =	vand.u32 $0x7, v3;
	v4 =	vand.u32 $0xFFFFFFC0, v62  }
0x190: {  	v3 =	vor.u32 v3, v4  }
0x191: {  	v4 =	vperm.xlane v3, v0;
	_ =	sdelay $0x1  }
0x192: {  	v4 =	vadd.s32 v1, v4;
	_ =	sdelay $0x4  }
0x193: {  	[tilespmem:s3], [sflag:$0x2] =	stream.indirect_vreg.gather [hbm4b:s12+s2], $0x80, v4, vm0, $0xb8;
	[tilespmem:$0x18300] =	vst v63  }
0x194: {  	s15 =	simm.s32 $0x8B00;
	v3 =	vperm.xlane v3, v2  }
0x195: {  	[tilespmem:s15], [sflag:$0x2] =	stream.indirect_vreg.gather [hbm4b:s10+s2], $0x80, v4, vm0, $0xb8;
	[tilespmem:$0x18300] =	vst v63  }
0x196: {  	s16 =	simm.s32 $0x9300;
	v3 =	vadd.s32 v1, v3  }
0x197: {  	[tilespmem:s16], [sflag:$0x2] =	stream.indirect_vreg.gather [hbm4b:s11+s2], $0x80, v4, vm0, $0xb8;
	[tilespmem:$0x18300] =	vst v63  }
0x198: {  	s17 =	simm.s32 $0x9B00  }
0x199: {  	[tilespmem:s17], [sflag:$0x2] =	stream.indirect_vreg.gather [hbm4b:s7+s2], $0x80, v4, vm0, $0xb8;
	[tilespmem:$0x18300] =	vst v63  }
0x19a: {  	s15 =	simm.s32 $0xA300  }
0x19b: {  	[tilespmem:s15], [sflag:$0x2] =	stream.indirect_vreg.gather [hbm4b:s12+s2], $0x80, v3, vm0, $0xb8;
	[tilespmem:$0x18300] =	vst v63  }
0x19c: {  	s16 =	simm.s32 $0xAB00  }
0x19d: {  	[tilespmem:s16], [sflag:$0x2] =	stream.indirect_vreg.gather [hbm4b:s10+s2], $0x80, v3, vm0, $0xb8;
	[tilespmem:$0x18300] =	vst v63  }
0x19e: {  	s17 =	simm.s32 $0xB300  }
0x19f: {  	[tilespmem:s17], [sflag:$0x2] =	stream.indirect_vreg.gather [hbm4b:s11+s2], $0x80, v3, vm0, $0xb8;
	[tilespmem:$0x18300] =	vst v63  }
0x1a0: {  	s15 =	simm.s32 $0xBB00  }
0x1a1: {  	[tilespmem:s15], [sflag:$0x2] =	stream.indirect_vreg.gather [hbm4b:s7+s2], $0x80, v3, vm0, $0xb8;
	[tilespmem:$0x18300] =	vst v63  }
0x1a2: {  	v3 =	vld [tilespmem:$0x2F0];
	_ =	sdelay $0x4  }
0x1a3: {  	v63 =	vshll.u32 v3, $0x3  }
0x1a4: {  	v3 =	vand.u32 $0x7, v3;
	v4 =	vand.u32 $0xFFFFFFC0, v63  }
0x1a5: {  	v3 =	vor.u32 v3, v4  }
0x1a6: {  	v4 =	vperm.xlane v3, v0;
	_ =	sdelay $0x1  }
0x1a7: {  	v4 =	vadd.s32 v1, v4;
	_ =	sdelay $0x3  }
0x1a8: {  	s16 =	simm.s32 $0xC300  }
0x1a9: {  	[tilespmem:s16], [sflag:$0x2] =	stream.indirect_vreg.gather [hbm4b:s12+s2], $0x80, v4, vm0, $0xb8;
	[tilespmem:$0x18300] =	vst v63  }
0x1aa: {  	s17 =	simm.s32 $0xCB00;
	v3 =	vperm.xlane v3, v2  }
0x1ab: {  	[tilespmem:s17], [sflag:$0x2] =	stream.indirect_vreg.gather [hbm4b:s10+s2], $0x80, v4, vm0, $0xb8;
	[tilespmem:$0x18300] =	vst v63  }
0x1ac: {  	s15 =	simm.s32 $0xD300;
	v3 =	vadd.s32 v1, v3  }
0x1ad: {  	[tilespmem:s15], [sflag:$0x2] =	stream.indirect_vreg.gather [hbm4b:s11+s2], $0x80, v4, vm0, $0xb8;
	[tilespmem:$0x18300] =	vst v63  }
0x1ae: {  	s16 =	simm.s32 $0xDB00  }
0x1af: {  	[tilespmem:s16], [sflag:$0x2] =	stream.indirect_vreg.gather [hbm4b:s7+s2], $0x80, v4, vm0, $0xb8;
	[tilespmem:$0x18300] =	vst v63  }
0x1b0: {  	s17 =	simm.s32 $0xE300  }
0x1b1: {  	[tilespmem:s17], [sflag:$0x2] =	stream.indirect_vreg.gather [hbm4b:s12+s2], $0x80, v3, vm0, $0xb8;
	[tilespmem:$0x18300] =	vst v63  }
0x1b2: {  	s15 =	simm.s32 $0xEB00  }
0x1b3: {  	[tilespmem:s15], [sflag:$0x2] =	stream.indirect_vreg.gather [hbm4b:s10+s2], $0x80, v3, vm0, $0xb8;
	[tilespmem:$0x18300] =	vst v63  }
0x1b4: {  	s16 =	simm.s32 $0xF300  }
0x1b5: {  	[tilespmem:s16], [sflag:$0x2] =	stream.indirect_vreg.gather [hbm4b:s11+s2], $0x80, v3, vm0, $0xb8;
	[tilespmem:$0x18300] =	vst v63  }
0x1b6: {  	s17 =	simm.s32 $0xFB00  }
0x1b7: {  	[tilespmem:s17], [sflag:$0x2] =	stream.indirect_vreg.gather [hbm4b:s7+s2], $0x80, v3, vm0, $0xb8;
	[tilespmem:$0x18300] =	vst v63  }
0x1b8: {  	_ =	swait.ge [sflag:s6], $0x4000  }
0x1b9: {  	[sflag:s6] =	ssyncset.done $0x0  }
0x1ba: {  	[sflag:s6] =	ssyncadd.s32 $0xFFFFC000  }
0x1bb: {  	_ =	swait.ge [sflag:s6], $0x4000  }
0x1bc: {  	[sflag:s6] =	ssyncset.done $0x0  }
0x1bd: {  	[sflag:s6] =	ssyncadd.s32 $0xFFFFC000  }
0x1be: {  	[hbm4b:s4+s2] =	stream.linear.scatter [tilespmem:s3], [sflag:$0x2], $0x8000, $0x38;
	[tilespmem:$0x18300] =	vst v63  }
0x1bf: {  	_ =	swait.ge [sflag:s23], $0x8000  }
0x1c0: {  	[sflag:s23] =	ssyncset.done $0x0  }
0x1c1: {  	s9 =	sadd.s32 $0x1, s9;
	[sflag:s23] =	ssyncadd.s32 $0xFFFF8000  }
0x1c2: {  	p1 =	sne.s32 s9, s1;
	_ =	swait.ge [sflag:s5], $0x8000  }
.Ltmp1:
0x1c3: {  	[sflag:s5] =	ssyncset.done $0x0;
	(pc) =	sbr.rel @!p1 .LBB2_10-.Ltmp1, $4  }
0x1c4: {  	[sflag:s5] =	ssyncadd.s32 $0xFFFF8000  }
0x1c5: {  	_ =	swait.ge [sflag:s6], $0x8000  }
0x1c6: {  	s0 =	smov.u32 s4;
	[sflag:s6] =	ssyncset.done $0x0  }
0x1c7: {  	s14 =	simm.s32 $0x300;
	s11 =	simm.s32 $0x8300;
	[sflag:s6] =	ssyncadd.s32 $0xFFFF8000  }
.LBB2_1:
0x1c8: {  	[tilespmem:s2], [sflag:$0x4] =	stream.linear.gather [hbm4b:s18+s2], $0x100, $0x38;
	[tilespmem:$0x18300] =	vst v63  }
0x1c9: {  	_ =	swait.ge [sflag:s22], $0x100  }
0x1ca: {  	[sflag:s22] =	ssyncset.done $0x0  }
0x1cb: {  	s3 =	simm.s32 $0x100;
	[sflag:s22] =	ssyncadd.s32 $0xFFFFFF00  }
0x1cc: {  	[tilespmem:s3], [sflag:$0x4] =	stream.linear.gather [hbm4b:s19+s2], $0x100, $0x38;
	[tilespmem:$0x18300] =	vst v63  }
0x1cd: {  	_ =	swait.ge [sflag:s22], $0x100  }
0x1ce: {  	[sflag:s22] =	ssyncset.done $0x0  }
0x1cf: {  	s7 =	simm.s32 $0x0;
	[sflag:s22] =	ssyncadd.s32 $0xFFFFFF00  }
0x1d0: {  	v3 =	vld [tilespmem:s7+$0x0];
	_ =	sdelay $0x1  }
0x1d1: {  	v4 =	vld [tilespmem:s7+$0x100];
	_ =	sdelay $0x2  }
0x1d2: {  	v3 =	vmul.f32 $9.000000000e+00, v3;
	_ =	sdelay $0x1  }
0x1d3: {  	s10 =	simm.s32 $0x10;
	v4 =	vmul.f32 $9.000000000e+00, v4;
	v3 =	vtrunc.f32 v3  }
0x1d4: {  	v6 =	vcvt.f32.s32 v3;
	v3 =	vld [tilespmem:s10+$0x0]  }
0x1d5: {  	v5 =	vtrunc.f32 v4;
	v4 =	vld [tilespmem:s10+$0x100];
	_ =	sdelay $0x1  }
0x1d6: {  	v5 =	vcvt.f32.s32 v5  }
0x1d7: {  	s3 =	simm.s32 $0x80;
	v6 =	vshll.u32 v6, $0x4  }
.LBB2_2:
0x1d8: {  	s4 =	sshra.s32 s3, $0x2;
	p1 =	sne.s32 s3, $0x3C0;
	s3 =	sadd.s32 $0x40, s3;
	v7 =	vmul.f32 $9.000000000e+00, v3;
	v5 =	vadd.s32 v5, v6  }
.Ltmp2:
0x1d9: {  	v3 =	vld [tilespmem:s4+$0x0];
	v6 =	vmul.f32 $9.000000000e+00, v4;
	[tilespmem:s7+$0x200] =	vst v5;
	s7 =	smov.u32 s10;
	s10 =	smov.u32 s4;
	(pc) =	sbr.rel @p1 .LBB2_2-.Ltmp2, $4  }
0x1da: {  	v4 =	vld [tilespmem:s10+$0x100];
	v5 =	vtrunc.f32 v7  }
0x1db: {  	v7 =	vcvt.f32.s32 v5;
	v5 =	vtrunc.f32 v6  }
0x1dc: {  	v5 =	vcvt.f32.s32 v5  }
0x1dd: {  	v6 =	vshll.u32 v7, $0x4  }
0x1de: {  	v3 =	vmul.f32 $9.000000000e+00, v3  }
0x1df: {  	v4 =	vmul.f32 $9.000000000e+00, v4  }
0x1e0: {  	v3 =	vtrunc.f32 v3  }
.Ltmp3:
0x1e1: {  	v3 =	vcvt.f32.s32 v3;
	v4 =	vtrunc.f32 v4;
	(pc) =	sbr.rel @p0 .LBB2_9-.Ltmp3, $4  }
0x1e2: {  	v4 =	vcvt.f32.s32 v4  }
0x1e3: {  	v5 =	vadd.s32 v5, v6;
	v3 =	vshll.u32 v3, $0x4  }
0x1e4: {  	[tilespmem:s7+$0x200] =	vst v5;
	v3 =	vadd.s32 v4, v3  }
0x1e5: {  	[tilespmem:s10+$0x200] =	vst v3  }
0x1e6: {  	s7 =	simm.s32 $0x0;
	s3 =	rddreg [dreg:$0x7]  }
0x1e7: {  	[tilespmem:s14], [sflag:$0x4] =	stream.linear.gather [hbm4b:s3+s7], $0x4000, $0x38;
	[tilespmem:$0x18300] =	vst v63  }
0x1e8: {  	_ =	swait.ge [sflag:s22], $0x4000  }
0x1e9: {  	[sflag:s22] =	ssyncset.done $0x0  }
0x1ea: {  	s17 =	rddreg [dreg:$0x8];
	[sflag:s22] =	ssyncadd.s32 $0xFFFFC000  }
0x1eb: {  	[tilespmem:s11], [sflag:$0x4] =	stream.linear.gather [hbm4b:s17+s7], $0x4000, $0x38;
	[tilespmem:$0x18300] =	vst v63  }
0x1ec: {  	_ =	swait.ge [sflag:s22], $0x4000  }
0x1ed: {  	[sflag:s22] =	ssyncset.done $0x0  }
0x1ee: {  	s10 =	simm.s32 $0x0;
	[sflag:s22] =	ssyncadd.s32 $0xFFFFC000  }
.LBB2_5:
0x1ef: {  	s3 =	sshll.u32 s10, $0xA;
	s4 =	sshll.u32 s10, $0x7  }
0x1f0: {  	s3 =	sand.u32 $0x2000, s3;
	s4 =	sand.u32 $0x380, s4  }
0x1f1: {  	s15 =	sand.u32 $0x1C00, s7;
	s11 =	sor.u32 s4, s3  }
0x1f2: {  	s16 =	sand.u32 $0x70, s7;
	s14 =	sor.u32 s15, s11  }
0x1f3: {  	s15 =	sadd.s32 s15, s8;
	s3 =	sor.u32 s16, s14  }
0x1f4: {  	s4 =	sadd.s32 s16, s15;
	v3 =	vld [tilespmem:s3+$0x8300]  }
0x1f5: {  	v4 =	vld [tilespmem:s4+$0x0];
	_ =	sdelay $0x2  }
0x1f6: {  	s4 =	simm.s32 $0x80  }
0x1f7: {  	s17 =	simm.s32 $0x10;
	s16 =	sand.u32 $0x1C00, s4  }
0x1f8: {  	s15 =	sand.u32 $0x70, s17;
	s14 =	simm.s32 $0x20;
	s17 =	sor.u32 s16, s11;
	v3 =	vadd.f32 v3, v4  }
.LBB2_6:
0x1f9: {  	p1 =	sne.s32 s14, $0x3F0;
	s16 =	sadd.s32 s16, s8;
	s17 =	sor.u32 s15, s17  }
0x1fa: {  	s15 =	sadd.s32 s15, s16;
	v4 =	vld [tilespmem:s17+$0x8300];
	[tilespmem:s3+$0x10300] =	vst v3;
	s3 =	smov.u32 s17  }
0x1fb: {  	v3 =	vld [tilespmem:s15+$0x0]  }
.Ltmp4:
0x1fc: {  	(pc) =	sbr.rel @p1 .LBB2_6-.Ltmp4, $4  }
0x1fd: {  	_ = 	snop  }
0x1fe: {  	s4 =	sadd.s32 $0x80, s4  }
0x1ff: {  	s16 =	sand.u32 $0x1C00, s4  }
0x200: {  	s15 =	sand.u32 $0x70, s14;
	s17 =	sor.u32 s16, s11;
	s14 =	sadd.s32 $0x10, s14;
	v3 =	vadd.f32 v4, v3  }
0x201: {  	s4 =	sor.u32 s15, s17;
	s11 =	sadd.s32 s16, s8  }
0x202: {  	v4 =	vld [tilespmem:s4+$0x8300];
	s11 =	sadd.s32 s15, s11;
	[tilespmem:s3+$0x10300] =	vst v3  }
0x203: {  	v3 =	vld [tilespmem:s11+$0x0]  }
0x204: {  	s10 =	sadd.s32 $0x1, s10  }
0x205: {  	p1 =	sne.s32 s10, $0x10  }
.Ltmp5:
0x206: {  	_ = 	snop;
	(pc) =	sbr.rel @p1 .LBB2_5-.Ltmp5, $3  }
0x207: {  	_ = 	snop  }
0x208: {  	v3 =	vadd.f32 v4, v3;
	_ =	sdelay $0x1  }
0x209: {  	[tilespmem:s4+$0x10300] =	vst v3  }
0x20a: {  	s3 =	rddreg [dreg:$0x9];
	s4 =	simm.s32 $0x10300  }
0x20b: {  	[hbm4b:s3+s2] =	stream.linear.scatter [tilespmem:s4], [sflag:$0x4], $0x4000, $0x38;
	[tilespmem:$0x18300] =	vst v63  }
0x20c: {  	_ =	swait.ge [sflag:s22], $0x4000  }
0x20d: {  	[sflag:s22] =	ssyncset.done $0x0  }
0x20e: {  	s15 =	rddreg [dreg:$0xa];
	[sflag:s22] =	ssyncadd.s32 $0xFFFFC000  }
0x20f: {  	[hbm4b:s15+s2] =	stream.linear.scatter [tilespmem:s4], [sflag:$0x4], $0x4000, $0x38;
	[tilespmem:$0x18300] =	vst v63  }
0x210: {  	_ =	swait.ge [sflag:s22], $0x4000  }
0x211: {  	[sflag:s22] =	ssyncset.done $0x0  }
0x212: {  	s16 =	rddreg [dreg:$0xb];
	[sflag:s22] =	ssyncadd.s32 $0xFFFFC000  }
0x213: {  	[hbm4b:s16+s2] =	stream.linear.scatter [tilespmem:s4], [sflag:$0x4], $0x4000, $0x38;
	[tilespmem:$0x18300] =	vst v63  }
0x214: {  	_ =	swait.ge [sflag:s22], $0x4000  }
0x215: {  	[sflag:s22] =	ssyncset.done $0x0  }
.Ltmp6:
0x216: {  	s17 =	rddreg [dreg:$0xc];
	[sflag:s22] =	ssyncadd.s32 $0xFFFFC000;
	(pc) =	sbr.rel .LBB2_9-.Ltmp6, $4  }
0x217: {  	[hbm4b:s17+s2] =	stream.linear.scatter [tilespmem:s4], [sflag:$0x4], $0x4000, $0x38;
	[tilespmem:$0x18300] =	vst v63  }
0x218: {  	_ =	swait.ge [sflag:s22], $0x4000  }
0x219: {  	[sflag:s22] =	ssyncset.done $0x0  }
0x21a: {  	[sflag:s22] =	ssyncadd.s32 $0xFFFFC000  }
.LBB2_10:
0x21b: {  	_ =	sfence.sel $0x180000  }
0x21c: {  	[bflag:$0x0] =	sbarrier.arrive $0xFFFF  }
0x21d: {  	_ =	strace $0x90000047  }
0x21e: {  	s0 =	stileid.u32;
	[bflag:$0x2] =	sbarrier.arrive $0xFFFF  }
0x21f: {  	p0 =	sne.s32 s0, $0x0;
	s0 =	rddreg [dreg:$0x6]  }
0x220: {  	s0 =	sadd.s32 @!p0 $0x100000, s0  }
0x221: {  	[sflag:s0] =	ssyncadd.tile.s32 @!p0 $0x1;
	_ =	shalt  }
.Lfunc_end2:
_tile_overlayer_lowered:
.L_overlay_start_2:
0x222: {  	(tag) =	ssettag $0x2  }
0x223: {  	s0 =	rddreg [dreg:$0x0];
	s2 =	stileid.u32  }
0x224: {  	s1 =	rddreg [dreg:$0x1];
	p0 =	sne.s32 s2, $0x0  }
0x225: {  	s3 =	rddreg [dreg:$0x2];
	[bflag:$0x3] =	sbarrier.arrive $0xFFFF;
	s2 =	simm.s32 @!p0 $0x1C04  }
0x226: {  	[timem:s3], [sflag:s2] =	dma.local @!p0 [hbm:s0], s1  }
0x227: {  	s0 =	simm.s32 @!p0 $0x4  }
0x228: {  	_ =	swait.ge @!p0 [sflag:s0], s1  }
0x229: {  	s1 =	ssub.s32 @!p0 $0x0, s1;
	[sflag:s0] =	ssyncset.done @!p0 $0x0  }
0x22a: {  	[sflag:s0] =	ssyncadd.s32 @!p0 s1  }
0x22b: {  	[bflag:$0x3] =	sbarrier.arrive $0xFFFF  }
0x22c: {  	_ =	shalt  }

</sc_bundles>
